<compile_context>
chip_gen: v7x
topology: tpu7x:2x2x1
jax: 0.10.2.dev20260603
libtpu: 0.0.44.dev20260713+nightly
codegen_flags: <defaults>
</compile_context>

<pallas_src>
import functools

import jax
import jax.numpy as jnp
from jax import lax
from jax.experimental import pallas as pl
from jax.experimental.pallas import tpu as pltpu
from jax.experimental.pallas import tpu_sc as plsc

_COL0 = 110
_NBINS = 128
_MERGEQ = 4


_MAGICF = 8388608.0
_MAGICI = -(0x4B000000 + _COL0)
_K = 4
_SUB = 128 // _K


def _sc_scatter_kernel(up_hbm, out_l, out_r, up_v, a0, a1, a2, a3, sem):
    accs = (a0, a1, a2, a3)
    c = lax.axis_index("c")
    s = lax.axis_index("s")
    j0 = s * 16
    i0 = c * 128
    jb = s // 8
    q16 = (s % 8) * 16
    copy = pltpu.async_copy(
        up_hbm.at[pl.ds(i0, 128), pl.ds(jb * 128, 128)], up_v, sem
    )

    zero16 = jnp.zeros((16,), jnp.float32)

    def zbody(r, carry):
        for a in accs:
            for q in range(_NBINS // 16):
                a[r, pl.ds(q * 16, 16)] = zero16
        return carry

    lax.fori_loop(0, 16, zbody, 0)
    copy.wait()

    rows = lax.iota(jnp.int32, 16)
    is_left = c == 0

    def body(t, carry):
        tl = jnp.where(is_left, _SUB - 1 - t, t)
        es = [k * _SUB + tl for k in range(_K)]
        vs = [up_v[e, pl.ds(q16, 16)] for e in es]
        ms = [v >= 0.0235 for v in vs]
        cols = [
            plsc.bitcast((v * 50.0 + 110.0) + _MAGICF, jnp.int32) + _MAGICI
            for v in vs
        ]
        vfs = [
            jnp.where(is_left, 128 - e, e).astype(jnp.float32) * (1.0 / 60.0)
            for e in es
        ]
        for k in range(_K):
            val = jnp.full((16,), vfs[k], jnp.float32)
            plsc.store_scatter(accs[k], [rows, cols[k]], val, mask=ms[k])
        return carry

    lax.fori_loop(0, _SUB, body, 0)

    def mbody(r, carry):
        for q in range(_MERGEQ):
            sl = pl.ds(q * 16, 16)
            m01 = jnp.maximum(accs[0][r, sl], accs[1][r, sl])
            m23 = jnp.maximum(accs[2][r, sl], accs[3][r, sl])
            accs[0][r, sl] = jnp.maximum(m01, m23)
        return carry

    lax.fori_loop(0, 16, mbody, 0)

    @pl.when(is_left)
    def _():
        pltpu.sync_copy(accs[0], out_l.at[pl.ds(j0, 16), :])

    @pl.when(jnp.logical_not(is_left))
    def _():
        pltpu.sync_copy(accs[0], out_r.at[pl.ds(j0, 16), :])


_sc_scatter = functools.partial(
    pl.kernel,
    mesh=plsc.VectorSubcoreMesh(core_axis_name="c", subcore_axis_name="s"),
    out_type=[
        jax.ShapeDtypeStruct((256, _NBINS), jnp.float32),
        jax.ShapeDtypeStruct((256, _NBINS), jnp.float32),
    ],
    scratch_types=[
        pltpu.VMEM((128, 128), jnp.float32),
        pltpu.VMEM((16, _NBINS), jnp.float32),
        pltpu.VMEM((16, _NBINS), jnp.float32),
        pltpu.VMEM((16, _NBINS), jnp.float32),
        pltpu.VMEM((16, _NBINS), jnp.float32),
        pltpu.SemaphoreType.DMA,
    ],
    compiler_params=pltpu.CompilerParams(
        use_tc_tiling_on_sc=True,
        needs_layout_passes=False,
        skip_device_barrier=True,
    ),
)(_sc_scatter_kernel)


def _loss_kernel(u2l_ref, u2r_ref, l_ref, r_ref, out_ref):
    threshold = 0.2
    a = u2l_ref[:]
    d = jnp.abs(a - l_ref[:])
    sl = jnp.sum(jnp.where((d < threshold) & (a != 0.0), d, 0.0))
    b = u2r_ref[:]
    d2 = jnp.abs(b - r_ref[:])
    sr = jnp.sum(jnp.where((d2 < threshold) & (b != 0.0), d2, 0.0))
    out_ref[0, 0] = (sl + sr) * (1.0 / 65536.0)


@jax.jit
def kernel(up_output, left_output, right_output):
    up = up_output.reshape(256, 256)
    l64 = left_output.reshape(256, 256)[:, _COL0:_COL0 + _NBINS]
    r64 = right_output.reshape(256, 256)[:, _COL0:_COL0 + _NBINS]
    u2l, u2r = _sc_scatter(up)
    loss = pl.pallas_call(
        _loss_kernel,
        out_shape=jax.ShapeDtypeStruct((1, 1), jnp.float32),
        out_specs=pl.BlockSpec(memory_space=pltpu.SMEM),
    )(u2l, u2r, l64, r64)
    return loss[0, 0]

# --- scband reference (transcript-rebuilt; emitter-appended) ---
"""Pipeline reference for scband-consistent-loss-up-3-25288767439316 (READ-ONLY COPY).

The authoritative reference and input builder live on the scoring server;
editing this copy changes nothing except your own understanding.
"""

import jax, jax.numpy as jnp
import numpy as np


def setup_inputs(seed: int = 0) -> dict:
    key = jax.random.key(seed)
    k1, k2, k3 = jax.random.split(key, 3)
    up_output = jax.random.uniform(k1, (1, 1, 256, 256), dtype=jnp.float32)
    left_output = jax.random.uniform(k2, (1, 1, 256, 256), dtype=jnp.float32)
    right_output = jax.random.uniform(k3, (1, 1, 256, 256), dtype=jnp.float32)
    return {"up_output": up_output, "left_output": left_output, "right_output": right_output}


def reference(up_output, left_output, right_output):
    threshold = 0.2
    up = jnp.squeeze(up_output)
    left = jnp.squeeze(left_output)
    right = jnp.squeeze(right_output)
    H, W = up.shape
    ii, jj = jnp.meshgrid(jnp.arange(H), jnp.arange(W), indexing="ij")
    mask = up >= 0.0235
    # The torch loop sequentially does: if accum[j, round(up[i,j]*50+110)] < v: set it.
    # Since it only ever increases entries, this is exactly a scatter-max.
    col = jnp.round(up * 50.0 + 110.0).astype(jnp.int32)
    col = jnp.where(mask, col, 0)
    val_r = jnp.where(mask & (ii > 128), (ii - 128) / 60.0, 0.0).astype(up.dtype)
    val_l = jnp.where(mask & (ii <= 128), (128 - ii) / 60.0, 0.0).astype(up.dtype)
    rows = jj.ravel()
    cols = col.ravel()
    up2right = jnp.zeros_like(up).at[rows, cols].max(val_r.ravel())
    up2left = jnp.zeros_like(up).at[rows, cols].max(val_l.ravel())
    pixel_diff_u2l = jnp.abs(up2left - left)
    masked_diff_u2l = jnp.where((pixel_diff_u2l < threshold) & (up2left != 0), pixel_diff_u2l, jnp.zeros_like(pixel_diff_u2l))
    l1_loss_u2l = jnp.mean(masked_diff_u2l)
    pixel_diff_u2r = jnp.abs(up2right - right)
    masked_diff_u2r = jnp.where((pixel_diff_u2r < threshold) & (up2right != 0), pixel_diff_u2r, jnp.zeros_like(pixel_diff_u2r))
    l1_loss_u2r = jnp.mean(masked_diff_u2r)
    return l1_loss_u2r + l1_loss_u2l

if __name__ == "__main__":
    import jax
    _d = setup_inputs()
    print(jax.jit(kernel)(*tuple(_d.values())))

</pallas_src>

<mosaic_0001>
#map = affine_map<(d0, d1) -> (0, 0)>
module attributes {stable_mosaic.version = 14 : i64} {
  func.func @_sc_scatter_kernel(%arg0: i32, %arg1: i32, %arg2: memref<256x256xf32, #tpu.memory_space<hbm>>, %arg3: memref<256x128xf32, #tpu.memory_space<hbm>>, %arg4: memref<256x128xf32, #tpu.memory_space<hbm>>, %arg5: memref<128x128xf32, #tpu.memory_space<vmem>>, %arg6: memref<16x128xf32, #tpu.memory_space<vmem>>, %arg7: memref<16x128xf32, #tpu.memory_space<vmem>>, %arg8: memref<16x128xf32, #tpu.memory_space<vmem>>, %arg9: memref<16x128xf32, #tpu.memory_space<vmem>>, %arg10: memref<!tpu.dma_semaphore, #tpu.memory_space<semaphore_mem>>) attributes {dimension_semantics = [#tpu.dimension_semantics<core_parallel>, #tpu.dimension_semantics<subcore_parallel>], iteration_bounds = array<i64: 2, 16>, scalar_prefetch = 0 : i64, scratch_operands = 6 : i64, tpu.core_type = #tpu.core_type<sc_vector_subcore>, window_params = [{transform_indices = #map}, {transform_indices = #map}, {transform_indices = #map}]} {
    %mul3A = arith.constant 16 : i32
    %mul3A_0 = arith.muli %arg1, %mul3A : i32
    %mul3A_1 = arith.constant 128 : i32
    %mul3A_2 = arith.muli %arg0, %mul3A_1 : i32
    %jit3A = arith.constant 8 : i32
    %div3A = arith.divsi %arg1, %jit3A : i32
    %sign3A = arith.constant 0 : i32
    %sign3A_3 = arith.cmpi sgt, %arg1, %sign3A : i32
    %sign3A_4 = arith.extui %sign3A_3 : i1 to i32
    %sign3A_5 = arith.constant 0 : i32
    %sign3A_6 = arith.cmpi slt, %arg1, %sign3A_5 : i32
    %sign3A_7 = arith.extui %sign3A_6 : i1 to i32
    %sign3A_8 = arith.subi %sign3A_4, %sign3A_7 : i32
    %sign3A_9 = arith.constant 0 : i32
    %sign3A_10 = arith.cmpi sgt, %jit3A, %sign3A_9 : i32
    %sign3A_11 = arith.extui %sign3A_10 : i1 to i32
    %sign3A_12 = arith.constant 0 : i32
    %sign3A_13 = arith.cmpi slt, %jit3A, %sign3A_12 : i32
    %sign3A_14 = arith.extui %sign3A_13 : i1 to i32
    %sign3A_15 = arith.subi %sign3A_11, %sign3A_14 : i32
    %ne3A = arith.cmpi ne, %sign3A_8, %sign3A_15 : i32
    %rem3A = arith.remsi %arg1, %jit3A : i32
    %ne3A_16 = arith.constant 0 : i32
    %ne3A_17 = arith.cmpi ne, %rem3A, %ne3A_16 : i32
    %and3A = arith.andi %ne3A, %ne3A_17 : i1
    %sub3A = arith.constant 1 : i32
    %sub3A_18 = arith.subi %div3A, %sub3A : i32
    %select_n3A = arith.select %and3A, %sub3A_18, %div3A : i32
    %jit3A_19 = arith.constant 8 : i32
    %eq3A = arith.constant 0 : i32
    %eq3A_20 = arith.cmpi eq, %jit3A_19, %eq3A : i32
    %jit3A_21 = arith.constant 1 : i32
    %select_n3A_22 = arith.select %eq3A_20, %jit3A_21, %jit3A_19 : i32
    %rem3A_23 = arith.remsi %arg1, %select_n3A_22 : i32
    %ne3A_24 = arith.constant 0 : i32
    %ne3A_25 = arith.cmpi ne, %rem3A_23, %ne3A_24 : i32
    %lt3A = arith.constant 0 : i32
    %lt3A_26 = arith.cmpi slt, %rem3A_23, %lt3A : i32
    %lt3A_27 = arith.constant 0 : i32
    %lt3A_28 = arith.cmpi slt, %select_n3A_22, %lt3A_27 : i32
    %ne3A_29 = arith.xori %lt3A_26, %lt3A_28 : i1
    %and3A_30 = arith.andi %ne3A_29, %ne3A_25 : i1
    %add3A = arith.addi %rem3A_23, %select_n3A_22 : i32
    %select_n3A_31 = arith.select %and3A_30, %add3A, %rem3A_23 : i32
    %mul3A_32 = arith.constant 16 : i32
    %mul3A_33 = arith.muli %select_n3A_31, %mul3A_32 : i32
    %mul3A_34 = arith.constant 128 : i32
    %mul3A_35 = arith.muli %select_n3A, %mul3A_34 : i32
    %dma_start3A = tpu.memref_slice %arg2[%mul3A_2, %mul3A_35] : memref<256x256xf32, #tpu.memory_space<hbm>> -> memref<128x128xf32, #tpu.memory_space<hbm>>
    %dma_start3A_36 = tpu.memref_slice %arg2[%mul3A_2, %mul3A_35] : memref<256x256xf32, #tpu.memory_space<hbm>> -> memref<128x128xf32, #tpu.memory_space<hbm>>
    tpu.enqueue_dma source(%dma_start3A_36 : memref<128x128xf32, #tpu.memory_space<hbm>>) target(%arg5 : memref<128x128xf32, #tpu.memory_space<vmem>>) target_semaphore(%arg10 : memref<!tpu.dma_semaphore, #tpu.memory_space<semaphore_mem>>)
    %broadcast_in_dim3A = arith.constant 0.000000e+00 : f32
    %broadcast_in_dim3A_37 = vector.broadcast %broadcast_in_dim3A : f32 to vector<16xf32>
    %scan3A = arith.constant 0 : i32
    %scan3A_38 = arith.constant 0 : i32
    %scan3A_39 = arith.constant 16 : i32
    %scan3A_40 = arith.addi %scan3A_38, %scan3A_39 : i32
    %scan3A_41 = arith.constant 1 : i32
    scf.for %scan3A_63 = %scan3A_38 to %scan3A_40 step %scan3A_41  : i32 {
      %swap3A = arith.index_cast %scan3A_63 : i32 to index
      %swap3A_64 = arith.constant 0 : index
      %swap3A_65 = tpu.vector_load %arg6[%swap3A, %swap3A_64] {strides = array<i32>} : memref<16x128xf32, #tpu.memory_space<vmem>>, vector<16xf32>,
      tpu.vector_store %arg6[%swap3A, %swap3A_64], %broadcast_in_dim3A_37 {strides = array<i32>} : memref<16x128xf32, #tpu.memory_space<vmem>>, vector<16xf32>,
      %swap3A_66 = arith.index_cast %scan3A_63 : i32 to index
      %swap3A_67 = arith.constant 16 : index
      %swap3A_68 = tpu.vector_load %arg6[%swap3A_66, %swap3A_67] {strides = array<i32>} : memref<16x128xf32, #tpu.memory_space<vmem>>, vector<16xf32>,
      tpu.vector_store %arg6[%swap3A_66, %swap3A_67], %broadcast_in_dim3A_37 {strides = array<i32>} : memref<16x128xf32, #tpu.memory_space<vmem>>, vector<16xf32>,
      %swap3A_69 = arith.index_cast %scan3A_63 : i32 to index
      %swap3A_70 = arith.constant 32 : index
      %swap3A_71 = tpu.vector_load %arg6[%swap3A_69, %swap3A_70] {strides = array<i32>} : memref<16x128xf32, #tpu.memory_space<vmem>>, vector<16xf32>,
      tpu.vector_store %arg6[%swap3A_69, %swap3A_70], %broadcast_in_dim3A_37 {strides = array<i32>} : memref<16x128xf32, #tpu.memory_space<vmem>>, vector<16xf32>,
      %swap3A_72 = arith.index_cast %scan3A_63 : i32 to index
      %swap3A_73 = arith.constant 48 : index
      %swap3A_74 = tpu.vector_load %arg6[%swap3A_72, %swap3A_73] {strides = array<i32>} : memref<16x128xf32, #tpu.memory_space<vmem>>, vector<16xf32>,
      tpu.vector_store %arg6[%swap3A_72, %swap3A_73], %broadcast_in_dim3A_37 {strides = array<i32>} : memref<16x128xf32, #tpu.memory_space<vmem>>, vector<16xf32>,
      %swap3A_75 = arith.index_cast %scan3A_63 : i32 to index
      %swap3A_76 = arith.constant 64 : index
      %swap3A_77 = tpu.vector_load %arg6[%swap3A_75, %swap3A_76] {strides = array<i32>} : memref<16x128xf32, #tpu.memory_space<vmem>>, vector<16xf32>,
      tpu.vector_store %arg6[%swap3A_75, %swap3A_76], %broadcast_in_dim3A_37 {strides = array<i32>} : memref<16x128xf32, #tpu.memory_space<vmem>>, vector<16xf32>,
      %swap3A_78 = arith.index_cast %scan3A_63 : i32 to index
      %swap3A_79 = arith.constant 80 : index
      %swap3A_80 = tpu.vector_load %arg6[%swap3A_78, %swap3A_79] {strides = array<i32>} : memref<16x128xf32, #tpu.memory_space<vmem>>, vector<16xf32>,
      tpu.vector_store %arg6[%swap3A_78, %swap3A_79], %broadcast_in_dim3A_37 {strides = array<i32>} : memref<16x128xf32, #tpu.memory_space<vmem>>, vector<16xf32>,
      %swap3A_81 = arith.index_cast %scan3A_63 : i32 to index
      %swap3A_82 = arith.constant 96 : index
      %swap3A_83 = tpu.vector_load %arg6[%swap3A_81, %swap3A_82] {strides = array<i32>} : memref<16x128xf32, #tpu.memory_space<vmem>>, vector<16xf32>,
      tpu.vector_store %arg6[%swap3A_81, %swap3A_82], %broadcast_in_dim3A_37 {strides = array<i32>} : memref<16x128xf32, #tpu.memory_space<vmem>>, vector<16xf32>,
      %swap3A_84 = arith.index_cast %scan3A_63 : i32 to index
      %swap3A_85 = arith.constant 112 : index
      %swap3A_86 = tpu.vector_load %arg6[%swap3A_84, %swap3A_85] {strides = array<i32>} : memref<16x128xf32, #tpu.memory_space<vmem>>, vector<16xf32>,
      tpu.vector_store %arg6[%swap3A_84, %swap3A_85], %broadcast_in_dim3A_37 {strides = array<i32>} : memref<16x128xf32, #tpu.memory_space<vmem>>, vector<16xf32>,
      %swap3A_87 = arith.index_cast %scan3A_63 : i32 to index
      %swap3A_88 = arith.constant 0 : index
      %swap3A_89 = tpu.vector_load %arg7[%swap3A_87, %swap3A_88] {strides = array<i32>} : memref<16x128xf32, #tpu.memory_space<vmem>>, vector<16xf32>,
      tpu.vector_store %arg7[%swap3A_87, %swap3A_88], %broadcast_in_dim3A_37 {strides = array<i32>} : memref<16x128xf32, #tpu.memory_space<vmem>>, vector<16xf32>,
      %swap3A_90 = arith.index_cast %scan3A_63 : i32 to index
      %swap3A_91 = arith.constant 16 : index
      %swap3A_92 = tpu.vector_load %arg7[%swap3A_90, %swap3A_91] {strides = array<i32>} : memref<16x128xf32, #tpu.memory_space<vmem>>, vector<16xf32>,
      tpu.vector_store %arg7[%swap3A_90, %swap3A_91], %broadcast_in_dim3A_37 {strides = array<i32>} : memref<16x128xf32, #tpu.memory_space<vmem>>, vector<16xf32>,
      %swap3A_93 = arith.index_cast %scan3A_63 : i32 to index
      %swap3A_94 = arith.constant 32 : index
      %swap3A_95 = tpu.vector_load %arg7[%swap3A_93, %swap3A_94] {strides = array<i32>} : memref<16x128xf32, #tpu.memory_space<vmem>>, vector<16xf32>,
      tpu.vector_store %arg7[%swap3A_93, %swap3A_94], %broadcast_in_dim3A_37 {strides = array<i32>} : memref<16x128xf32, #tpu.memory_space<vmem>>, vector<16xf32>,
      %swap3A_96 = arith.index_cast %scan3A_63 : i32 to index
      %swap3A_97 = arith.constant 48 : index
      %swap3A_98 = tpu.vector_load %arg7[%swap3A_96, %swap3A_97] {strides = array<i32>} : memref<16x128xf32, #tpu.memory_space<vmem>>, vector<16xf32>,
      tpu.vector_store %arg7[%swap3A_96, %swap3A_97], %broadcast_in_dim3A_37 {strides = array<i32>} : memref<16x128xf32, #tpu.memory_space<vmem>>, vector<16xf32>,
      %swap3A_99 = arith.index_cast %scan3A_63 : i32 to index
      %swap3A_100 = arith.constant 64 : index
      %swap3A_101 = tpu.vector_load %arg7[%swap3A_99, %swap3A_100] {strides = array<i32>} : memref<16x128xf32, #tpu.memory_space<vmem>>, vector<16xf32>,
      tpu.vector_store %arg7[%swap3A_99, %swap3A_100], %broadcast_in_dim3A_37 {strides = array<i32>} : memref<16x128xf32, #tpu.memory_space<vmem>>, vector<16xf32>,
      %swap3A_102 = arith.index_cast %scan3A_63 : i32 to index
      %swap3A_103 = arith.constant 80 : index
      %swap3A_104 = tpu.vector_load %arg7[%swap3A_102, %swap3A_103] {strides = array<i32>} : memref<16x128xf32, #tpu.memory_space<vmem>>, vector<16xf32>,
      tpu.vector_store %arg7[%swap3A_102, %swap3A_103], %broadcast_in_dim3A_37 {strides = array<i32>} : memref<16x128xf32, #tpu.memory_space<vmem>>, vector<16xf32>,
      %swap3A_105 = arith.index_cast %scan3A_63 : i32 to index
      %swap3A_106 = arith.constant 96 : index
      %swap3A_107 = tpu.vector_load %arg7[%swap3A_105, %swap3A_106] {strides = array<i32>} : memref<16x128xf32, #tpu.memory_space<vmem>>, vector<16xf32>,
      tpu.vector_store %arg7[%swap3A_105, %swap3A_106], %broadcast_in_dim3A_37 {strides = array<i32>} : memref<16x128xf32, #tpu.memory_space<vmem>>, vector<16xf32>,
      %swap3A_108 = arith.index_cast %scan3A_63 : i32 to index
      %swap3A_109 = arith.constant 112 : index
      %swap3A_110 = tpu.vector_load %arg7[%swap3A_108, %swap3A_109] {strides = array<i32>} : memref<16x128xf32, #tpu.memory_space<vmem>>, vector<16xf32>,
      tpu.vector_store %arg7[%swap3A_108, %swap3A_109], %broadcast_in_dim3A_37 {strides = array<i32>} : memref<16x128xf32, #tpu.memory_space<vmem>>, vector<16xf32>,
      %swap3A_111 = arith.index_cast %scan3A_63 : i32 to index
      %swap3A_112 = arith.constant 0 : index
      %swap3A_113 = tpu.vector_load %arg8[%swap3A_111, %swap3A_112] {strides = array<i32>} : memref<16x128xf32, #tpu.memory_space<vmem>>, vector<16xf32>,
      tpu.vector_store %arg8[%swap3A_111, %swap3A_112], %broadcast_in_dim3A_37 {strides = array<i32>} : memref<16x128xf32, #tpu.memory_space<vmem>>, vector<16xf32>,
      %swap3A_114 = arith.index_cast %scan3A_63 : i32 to index
      %swap3A_115 = arith.constant 16 : index
      %swap3A_116 = tpu.vector_load %arg8[%swap3A_114, %swap3A_115] {strides = array<i32>} : memref<16x128xf32, #tpu.memory_space<vmem>>, vector<16xf32>,
      tpu.vector_store %arg8[%swap3A_114, %swap3A_115], %broadcast_in_dim3A_37 {strides = array<i32>} : memref<16x128xf32, #tpu.memory_space<vmem>>, vector<16xf32>,
      %swap3A_117 = arith.index_cast %scan3A_63 : i32 to index
      %swap3A_118 = arith.constant 32 : index
      %swap3A_119 = tpu.vector_load %arg8[%swap3A_117, %swap3A_118] {strides = array<i32>} : memref<16x128xf32, #tpu.memory_space<vmem>>, vector<16xf32>,
      tpu.vector_store %arg8[%swap3A_117, %swap3A_118], %broadcast_in_dim3A_37 {strides = array<i32>} : memref<16x128xf32, #tpu.memory_space<vmem>>, vector<16xf32>,
      %swap3A_120 = arith.index_cast %scan3A_63 : i32 to index
      %swap3A_121 = arith.constant 48 : index
      %swap3A_122 = tpu.vector_load %arg8[%swap3A_120, %swap3A_121] {strides = array<i32>} : memref<16x128xf32, #tpu.memory_space<vmem>>, vector<16xf32>,
      tpu.vector_store %arg8[%swap3A_120, %swap3A_121], %broadcast_in_dim3A_37 {strides = array<i32>} : memref<16x128xf32, #tpu.memory_space<vmem>>, vector<16xf32>,
      %swap3A_123 = arith.index_cast %scan3A_63 : i32 to index
      %swap3A_124 = arith.constant 64 : index
      %swap3A_125 = tpu.vector_load %arg8[%swap3A_123, %swap3A_124] {strides = array<i32>} : memref<16x128xf32, #tpu.memory_space<vmem>>, vector<16xf32>,
      tpu.vector_store %arg8[%swap3A_123, %swap3A_124], %broadcast_in_dim3A_37 {strides = array<i32>} : memref<16x128xf32, #tpu.memory_space<vmem>>, vector<16xf32>,
      %swap3A_126 = arith.index_cast %scan3A_63 : i32 to index
      %swap3A_127 = arith.constant 80 : index
      %swap3A_128 = tpu.vector_load %arg8[%swap3A_126, %swap3A_127] {strides = array<i32>} : memref<16x128xf32, #tpu.memory_space<vmem>>, vector<16xf32>,
      tpu.vector_store %arg8[%swap3A_126, %swap3A_127], %broadcast_in_dim3A_37 {strides = array<i32>} : memref<16x128xf32, #tpu.memory_space<vmem>>, vector<16xf32>,
      %swap3A_129 = arith.index_cast %scan3A_63 : i32 to index
      %swap3A_130 = arith.constant 96 : index
      %swap3A_131 = tpu.vector_load %arg8[%swap3A_129, %swap3A_130] {strides = array<i32>} : memref<16x128xf32, #tpu.memory_space<vmem>>, vector<16xf32>,
      tpu.vector_store %arg8[%swap3A_129, %swap3A_130], %broadcast_in_dim3A_37 {strides = array<i32>} : memref<16x128xf32, #tpu.memory_space<vmem>>, vector<16xf32>,
      %swap3A_132 = arith.index_cast %scan3A_63 : i32 to index
      %swap3A_133 = arith.constant 112 : index
      %swap3A_134 = tpu.vector_load %arg8[%swap3A_132, %swap3A_133] {strides = array<i32>} : memref<16x128xf32, #tpu.memory_space<vmem>>, vector<16xf32>,
      tpu.vector_store %arg8[%swap3A_132, %swap3A_133], %broadcast_in_dim3A_37 {strides = array<i32>} : memref<16x128xf32, #tpu.memory_space<vmem>>, vector<16xf32>,
      %swap3A_135 = arith.index_cast %scan3A_63 : i32 to index
      %swap3A_136 = arith.constant 0 : index
      %swap3A_137 = tpu.vector_load %arg9[%swap3A_135, %swap3A_136] {strides = array<i32>} : memref<16x128xf32, #tpu.memory_space<vmem>>, vector<16xf32>,
      tpu.vector_store %arg9[%swap3A_135, %swap3A_136], %broadcast_in_dim3A_37 {strides = array<i32>} : memref<16x128xf32, #tpu.memory_space<vmem>>, vector<16xf32>,
      %swap3A_138 = arith.index_cast %scan3A_63 : i32 to index
      %swap3A_139 = arith.constant 16 : index
      %swap3A_140 = tpu.vector_load %arg9[%swap3A_138, %swap3A_139] {strides = array<i32>} : memref<16x128xf32, #tpu.memory_space<vmem>>, vector<16xf32>,
      tpu.vector_store %arg9[%swap3A_138, %swap3A_139], %broadcast_in_dim3A_37 {strides = array<i32>} : memref<16x128xf32, #tpu.memory_space<vmem>>, vector<16xf32>,
      %swap3A_141 = arith.index_cast %scan3A_63 : i32 to index
      %swap3A_142 = arith.constant 32 : index
      %swap3A_143 = tpu.vector_load %arg9[%swap3A_141, %swap3A_142] {strides = array<i32>} : memref<16x128xf32, #tpu.memory_space<vmem>>, vector<16xf32>,
      tpu.vector_store %arg9[%swap3A_141, %swap3A_142], %broadcast_in_dim3A_37 {strides = array<i32>} : memref<16x128xf32, #tpu.memory_space<vmem>>, vector<16xf32>,
      %swap3A_144 = arith.index_cast %scan3A_63 : i32 to index
      %swap3A_145 = arith.constant 48 : index
      %swap3A_146 = tpu.vector_load %arg9[%swap3A_144, %swap3A_145] {strides = array<i32>} : memref<16x128xf32, #tpu.memory_space<vmem>>, vector<16xf32>,
      tpu.vector_store %arg9[%swap3A_144, %swap3A_145], %broadcast_in_dim3A_37 {strides = array<i32>} : memref<16x128xf32, #tpu.memory_space<vmem>>, vector<16xf32>,
      %swap3A_147 = arith.index_cast %scan3A_63 : i32 to index
      %swap3A_148 = arith.constant 64 : index
      %swap3A_149 = tpu.vector_load %arg9[%swap3A_147, %swap3A_148] {strides = array<i32>} : memref<16x128xf32, #tpu.memory_space<vmem>>, vector<16xf32>,
      tpu.vector_store %arg9[%swap3A_147, %swap3A_148], %broadcast_in_dim3A_37 {strides = array<i32>} : memref<16x128xf32, #tpu.memory_space<vmem>>, vector<16xf32>,
      %swap3A_150 = arith.index_cast %scan3A_63 : i32 to index
      %swap3A_151 = arith.constant 80 : index
      %swap3A_152 = tpu.vector_load %arg9[%swap3A_150, %swap3A_151] {strides = array<i32>} : memref<16x128xf32, #tpu.memory_space<vmem>>, vector<16xf32>,
      tpu.vector_store %arg9[%swap3A_150, %swap3A_151], %broadcast_in_dim3A_37 {strides = array<i32>} : memref<16x128xf32, #tpu.memory_space<vmem>>, vector<16xf32>,
      %swap3A_153 = arith.index_cast %scan3A_63 : i32 to index
      %swap3A_154 = arith.constant 96 : index
      %swap3A_155 = tpu.vector_load %arg9[%swap3A_153, %swap3A_154] {strides = array<i32>} : memref<16x128xf32, #tpu.memory_space<vmem>>, vector<16xf32>,
      tpu.vector_store %arg9[%swap3A_153, %swap3A_154], %broadcast_in_dim3A_37 {strides = array<i32>} : memref<16x128xf32, #tpu.memory_space<vmem>>, vector<16xf32>,
      %swap3A_156 = arith.index_cast %scan3A_63 : i32 to index
      %swap3A_157 = arith.constant 112 : index
      %swap3A_158 = tpu.vector_load %arg9[%swap3A_156, %swap3A_157] {strides = array<i32>} : memref<16x128xf32, #tpu.memory_space<vmem>>, vector<16xf32>,
      tpu.vector_store %arg9[%swap3A_156, %swap3A_157], %broadcast_in_dim3A_37 {strides = array<i32>} : memref<16x128xf32, #tpu.memory_space<vmem>>, vector<16xf32>,
    }
    %scan3A_42 = arith.constant 16 : i32
    %dma_wait3A = tpu.memref_slice %arg2[%mul3A_2, %mul3A_35] : memref<256x256xf32, #tpu.memory_space<hbm>> -> memref<128x128xf32, #tpu.memory_space<hbm>>
    %dma_wait3A_43 = tpu.memref_slice %arg2[%mul3A_2, %mul3A_35] : memref<256x256xf32, #tpu.memory_space<hbm>> -> memref<128x128xf32, #tpu.memory_space<hbm>>
    tpu.wait_dma2 semaphore(%arg10 : memref<!tpu.dma_semaphore, #tpu.memory_space<semaphore_mem>>) src(%dma_wait3A_43 : memref<128x128xf32, #tpu.memory_space<hbm>>) dst(%arg5 : memref<128x128xf32, #tpu.memory_space<vmem>>)
    %iota3A = tpu.iota {dimensions = array<i32: 0>} : vector<16xi32>
    %eq3A_44 = arith.constant 0 : i32
    %eq3A_45 = arith.cmpi eq, %arg0, %eq3A_44 : i32
    %scan3A_46 = arith.constant 0 : i32
    %scan3A_47 = arith.constant 0 : i32
    %scan3A_48 = arith.constant 32 : i32
    %scan3A_49 = arith.addi %scan3A_47, %scan3A_48 : i32
    %scan3A_50 = arith.constant 1 : i32
    scf.for %scan3A_63 = %scan3A_47 to %scan3A_49 step %scan3A_50  : i32 {
      %sub3A_64 = arith.constant 31 : i32
      %sub3A_65 = arith.subi %sub3A_64, %scan3A_63 : i32
      %select_n3A_66 = arith.select %eq3A_45, %sub3A_65, %scan3A_63 : i32
      %add3A_67 = arith.constant 0 : i32
      %add3A_68 = arith.addi %add3A_67, %select_n3A_66 : i32
      %add3A_69 = arith.constant 32 : i32
      %add3A_70 = arith.addi %add3A_69, %select_n3A_66 : i32
      %add3A_71 = arith.constant 64 : i32
      %add3A_72 = arith.addi %add3A_71, %select_n3A_66 : i32
      %add3A_73 = arith.constant 96 : i32
      %add3A_74 = arith.addi %add3A_73, %select_n3A_66 : i32
      %get3A = arith.index_cast %add3A_68 : i32 to index
      %get3A_75 = arith.index_cast %mul3A_33 : i32 to index
      %get3A_76 = tpu.vector_load %arg5[%get3A, %get3A_75] {strides = array<i32>} : memref<128x128xf32, #tpu.memory_space<vmem>>, vector<16xf32>,
      %get3A_77 = arith.index_cast %add3A_70 : i32 to index
      %get3A_78 = arith.index_cast %mul3A_33 : i32 to index
      %get3A_79 = tpu.vector_load %arg5[%get3A_77, %get3A_78] {strides = array<i32>} : memref<128x128xf32, #tpu.memory_space<vmem>>, vector<16xf32>,
      %get3A_80 = arith.index_cast %add3A_72 : i32 to index
      %get3A_81 = arith.index_cast %mul3A_33 : i32 to index
      %get3A_82 = tpu.vector_load %arg5[%get3A_80, %get3A_81] {strides = array<i32>} : memref<128x128xf32, #tpu.memory_space<vmem>>, vector<16xf32>,
      %get3A_83 = arith.index_cast %add3A_74 : i32 to index
      %get3A_84 = arith.index_cast %mul3A_33 : i32 to index
      %get3A_85 = tpu.vector_load %arg5[%get3A_83, %get3A_84] {strides = array<i32>} : memref<128x128xf32, #tpu.memory_space<vmem>>, vector<16xf32>,
      %ge3A = arith.constant 2.350000e-02 : f32
      %ge3A_86 = vector.broadcast %ge3A : f32 to vector<16xf32>
      %ge3A_87 = arith.cmpf oge, %get3A_76, %ge3A_86 : vector<16xf32>
      %ge3A_88 = arith.constant 2.350000e-02 : f32
      %ge3A_89 = vector.broadcast %ge3A_88 : f32 to vector<16xf32>
      %ge3A_90 = arith.cmpf oge, %get3A_79, %ge3A_89 : vector<16xf32>
      %ge3A_91 = arith.constant 2.350000e-02 : f32
      %ge3A_92 = vector.broadcast %ge3A_91 : f32 to vector<16xf32>
      %ge3A_93 = arith.cmpf oge, %get3A_82, %ge3A_92 : vector<16xf32>
      %ge3A_94 = arith.constant 2.350000e-02 : f32
      %ge3A_95 = vector.broadcast %ge3A_94 : f32 to vector<16xf32>
      %ge3A_96 = arith.cmpf oge, %get3A_85, %ge3A_95 : vector<16xf32>
      %mul3A_97 = arith.constant 5.000000e+01 : f32
      %mul3A_98 = vector.broadcast %mul3A_97 : f32 to vector<16xf32>
      %mul3A_99 = arith.mulf %get3A_76, %mul3A_98 : vector<16xf32>
      %add3A_100 = arith.constant 1.100000e+02 : f32
      %add3A_101 = vector.broadcast %add3A_100 : f32 to vector<16xf32>
      %add3A_102 = arith.addf %mul3A_99, %add3A_101 : vector<16xf32>
      %add3A_103 = arith.constant 0x4B000000 : f32
      %add3A_104 = vector.broadcast %add3A_103 : f32 to vector<16xf32>
      %add3A_105 = arith.addf %add3A_102, %add3A_104 : vector<16xf32>
      %bitcast3A = vector.bitcast %add3A_105 : vector<16xf32> to vector<16xi32>
      %add3A_106 = arith.constant -1258291310 : i32
      %add3A_107 = vector.broadcast %add3A_106 : i32 to vector<16xi32>
      %add3A_108 = arith.addi %bitcast3A, %add3A_107 : vector<16xi32>
      %mul3A_109 = arith.constant 5.000000e+01 : f32
      %mul3A_110 = vector.broadcast %mul3A_109 : f32 to vector<16xf32>
      %mul3A_111 = arith.mulf %get3A_79, %mul3A_110 : vector<16xf32>
      %add3A_112 = arith.constant 1.100000e+02 : f32
      %add3A_113 = vector.broadcast %add3A_112 : f32 to vector<16xf32>
      %add3A_114 = arith.addf %mul3A_111, %add3A_113 : vector<16xf32>
      %add3A_115 = arith.constant 0x4B000000 : f32
      %add3A_116 = vector.broadcast %add3A_115 : f32 to vector<16xf32>
      %add3A_117 = arith.addf %add3A_114, %add3A_116 : vector<16xf32>
      %bitcast3A_118 = vector.bitcast %add3A_117 : vector<16xf32> to vector<16xi32>
      %add3A_119 = arith.constant -1258291310 : i32
      %add3A_120 = vector.broadcast %add3A_119 : i32 to vector<16xi32>
      %add3A_121 = arith.addi %bitcast3A_118, %add3A_120 : vector<16xi32>
      %mul3A_122 = arith.constant 5.000000e+01 : f32
      %mul3A_123 = vector.broadcast %mul3A_122 : f32 to vector<16xf32>
      %mul3A_124 = arith.mulf %get3A_82, %mul3A_123 : vector<16xf32>
      %add3A_125 = arith.constant 1.100000e+02 : f32
      %add3A_126 = vector.broadcast %add3A_125 : f32 to vector<16xf32>
      %add3A_127 = arith.addf %mul3A_124, %add3A_126 : vector<16xf32>
      %add3A_128 = arith.constant 0x4B000000 : f32
      %add3A_129 = vector.broadcast %add3A_128 : f32 to vector<16xf32>
      %add3A_130 = arith.addf %add3A_127, %add3A_129 : vector<16xf32>
      %bitcast3A_131 = vector.bitcast %add3A_130 : vector<16xf32> to vector<16xi32>
      %add3A_132 = arith.constant -1258291310 : i32
      %add3A_133 = vector.broadcast %add3A_132 : i32 to vector<16xi32>
      %add3A_134 = arith.addi %bitcast3A_131, %add3A_133 : vector<16xi32>
      %mul3A_135 = arith.constant 5.000000e+01 : f32
      %mul3A_136 = vector.broadcast %mul3A_135 : f32 to vector<16xf32>
      %mul3A_137 = arith.mulf %get3A_85, %mul3A_136 : vector<16xf32>
      %add3A_138 = arith.constant 1.100000e+02 : f32
      %add3A_139 = vector.broadcast %add3A_138 : f32 to vector<16xf32>
      %add3A_140 = arith.addf %mul3A_137, %add3A_139 : vector<16xf32>
      %add3A_141 = arith.constant 0x4B000000 : f32
      %add3A_142 = vector.broadcast %add3A_141 : f32 to vector<16xf32>
      %add3A_143 = arith.addf %add3A_140, %add3A_142 : vector<16xf32>
      %bitcast3A_144 = vector.bitcast %add3A_143 : vector<16xf32> to vector<16xi32>
      %add3A_145 = arith.constant -1258291310 : i32
      %add3A_146 = vector.broadcast %add3A_145 : i32 to vector<16xi32>
      %add3A_147 = arith.addi %bitcast3A_144, %add3A_146 : vector<16xi32>
      %sub3A_148 = arith.constant 128 : i32
      %sub3A_149 = arith.subi %sub3A_148, %add3A_68 : i32
      %select_n3A_150 = arith.select %eq3A_45, %sub3A_149, %add3A_68 : i32
      %convert_element_type3A_151 = arith.sitofp %select_n3A_150 : i32 to f32
      %mul3A_152 = arith.constant 0.0166666675 : f32
      %mul3A_153 = arith.mulf %convert_element_type3A_151, %mul3A_152 : f32
      %sub3A_154 = arith.constant 128 : i32
      %sub3A_155 = arith.subi %sub3A_154, %add3A_70 : i32
      %select_n3A_156 = arith.select %eq3A_45, %sub3A_155, %add3A_70 : i32
      %convert_element_type3A_157 = arith.sitofp %select_n3A_156 : i32 to f32
      %mul3A_158 = arith.constant 0.0166666675 : f32
      %mul3A_159 = arith.mulf %convert_element_type3A_157, %mul3A_158 : f32
      %sub3A_160 = arith.constant 128 : i32
      %sub3A_161 = arith.subi %sub3A_160, %add3A_72 : i32
      %select_n3A_162 = arith.select %eq3A_45, %sub3A_161, %add3A_72 : i32
      %convert_element_type3A_163 = arith.sitofp %select_n3A_162 : i32 to f32
      %mul3A_164 = arith.constant 0.0166666675 : f32
      %mul3A_165 = arith.mulf %convert_element_type3A_163, %mul3A_164 : f32
      %sub3A_166 = arith.constant 128 : i32
      %sub3A_167 = arith.subi %sub3A_166, %add3A_74 : i32
      %select_n3A_168 = arith.select %eq3A_45, %sub3A_167, %add3A_74 : i32
      %convert_element_type3A_169 = arith.sitofp %select_n3A_168 : i32 to f32
      %mul3A_170 = arith.constant 0.0166666675 : f32
      %mul3A_171 = arith.mulf %convert_element_type3A_169, %mul3A_170 : f32
      %broadcast_in_dim3A_172 = vector.broadcast %mul3A_153 : f32 to vector<16xf32>
      tpu.vector_store_idx %arg6[%iota3A, %add3A_108], %broadcast_in_dim3A_172 masked %ge3A_87 : memref<16x128xf32, #tpu.memory_space<vmem>>[vector<16xi32>, vector<16xi32>], vector<16xf32>, vector<16xi1>
      %broadcast_in_dim3A_173 = vector.broadcast %mul3A_159 : f32 to vector<16xf32>
      tpu.vector_store_idx %arg7[%iota3A, %add3A_121], %broadcast_in_dim3A_173 masked %ge3A_90 : memref<16x128xf32, #tpu.memory_space<vmem>>[vector<16xi32>, vector<16xi32>], vector<16xf32>, vector<16xi1>
      %broadcast_in_dim3A_174 = vector.broadcast %mul3A_165 : f32 to vector<16xf32>
      tpu.vector_store_idx %arg8[%iota3A, %add3A_134], %broadcast_in_dim3A_174 masked %ge3A_93 : memref<16x128xf32, #tpu.memory_space<vmem>>[vector<16xi32>, vector<16xi32>], vector<16xf32>, vector<16xi1>
      %broadcast_in_dim3A_175 = vector.broadcast %mul3A_171 : f32 to vector<16xf32>
      tpu.vector_store_idx %arg9[%iota3A, %add3A_147], %broadcast_in_dim3A_175 masked %ge3A_96 : memref<16x128xf32, #tpu.memory_space<vmem>>[vector<16xi32>, vector<16xi32>], vector<16xf32>, vector<16xi1>
    }
    %scan3A_51 = arith.constant 32 : i32
    %scan3A_52 = arith.constant 0 : i32
    %scan3A_53 = arith.constant 0 : i32
    %scan3A_54 = arith.constant 16 : i32
    %scan3A_55 = arith.addi %scan3A_53, %scan3A_54 : i32
    %scan3A_56 = arith.constant 1 : i32
    scf.for %scan3A_63 = %scan3A_53 to %scan3A_55 step %scan3A_56  : i32 {
      %get3A = arith.index_cast %scan3A_63 : i32 to index
      %get3A_64 = arith.constant 0 : index
      %get3A_65 = tpu.vector_load %arg6[%get3A, %get3A_64] {strides = array<i32>} : memref<16x128xf32, #tpu.memory_space<vmem>>, vector<16xf32>,
      %get3A_66 = arith.index_cast %scan3A_63 : i32 to index
      %get3A_67 = arith.constant 0 : index
      %get3A_68 = tpu.vector_load %arg7[%get3A_66, %get3A_67] {strides = array<i32>} : memref<16x128xf32, #tpu.memory_space<vmem>>, vector<16xf32>,
      %max3A = arith.maximumf %get3A_65, %get3A_68 : vector<16xf32>
      %get3A_69 = arith.index_cast %scan3A_63 : i32 to index
      %get3A_70 = arith.constant 0 : index
      %get3A_71 = tpu.vector_load %arg8[%get3A_69, %get3A_70] {strides = array<i32>} : memref<16x128xf32, #tpu.memory_space<vmem>>, vector<16xf32>,
      %get3A_72 = arith.index_cast %scan3A_63 : i32 to index
      %get3A_73 = arith.constant 0 : index
      %get3A_74 = tpu.vector_load %arg9[%get3A_72, %get3A_73] {strides = array<i32>} : memref<16x128xf32, #tpu.memory_space<vmem>>, vector<16xf32>,
      %max3A_75 = arith.maximumf %get3A_71, %get3A_74 : vector<16xf32>
      %max3A_76 = arith.maximumf %max3A, %max3A_75 : vector<16xf32>
      %swap3A = arith.index_cast %scan3A_63 : i32 to index
      %swap3A_77 = arith.constant 0 : index
      %swap3A_78 = tpu.vector_load %arg6[%swap3A, %swap3A_77] {strides = array<i32>} : memref<16x128xf32, #tpu.memory_space<vmem>>, vector<16xf32>,
      tpu.vector_store %arg6[%swap3A, %swap3A_77], %max3A_76 {strides = array<i32>} : memref<16x128xf32, #tpu.memory_space<vmem>>, vector<16xf32>,
      %get3A_79 = arith.index_cast %scan3A_63 : i32 to index
      %get3A_80 = arith.constant 16 : index
      %get3A_81 = tpu.vector_load %arg6[%get3A_79, %get3A_80] {strides = array<i32>} : memref<16x128xf32, #tpu.memory_space<vmem>>, vector<16xf32>,
      %get3A_82 = arith.index_cast %scan3A_63 : i32 to index
      %get3A_83 = arith.constant 16 : index
      %get3A_84 = tpu.vector_load %arg7[%get3A_82, %get3A_83] {strides = array<i32>} : memref<16x128xf32, #tpu.memory_space<vmem>>, vector<16xf32>,
      %max3A_85 = arith.maximumf %get3A_81, %get3A_84 : vector<16xf32>
      %get3A_86 = arith.index_cast %scan3A_63 : i32 to index
      %get3A_87 = arith.constant 16 : index
      %get3A_88 = tpu.vector_load %arg8[%get3A_86, %get3A_87] {strides = array<i32>} : memref<16x128xf32, #tpu.memory_space<vmem>>, vector<16xf32>,
      %get3A_89 = arith.index_cast %scan3A_63 : i32 to index
      %get3A_90 = arith.constant 16 : index
      %get3A_91 = tpu.vector_load %arg9[%get3A_89, %get3A_90] {strides = array<i32>} : memref<16x128xf32, #tpu.memory_space<vmem>>, vector<16xf32>,
      %max3A_92 = arith.maximumf %get3A_88, %get3A_91 : vector<16xf32>
      %max3A_93 = arith.maximumf %max3A_85, %max3A_92 : vector<16xf32>
      %swap3A_94 = arith.index_cast %scan3A_63 : i32 to index
      %swap3A_95 = arith.constant 16 : index
      %swap3A_96 = tpu.vector_load %arg6[%swap3A_94, %swap3A_95] {strides = array<i32>} : memref<16x128xf32, #tpu.memory_space<vmem>>, vector<16xf32>,
      tpu.vector_store %arg6[%swap3A_94, %swap3A_95], %max3A_93 {strides = array<i32>} : memref<16x128xf32, #tpu.memory_space<vmem>>, vector<16xf32>,
      %get3A_97 = arith.index_cast %scan3A_63 : i32 to index
      %get3A_98 = arith.constant 32 : index
      %get3A_99 = tpu.vector_load %arg6[%get3A_97, %get3A_98] {strides = array<i32>} : memref<16x128xf32, #tpu.memory_space<vmem>>, vector<16xf32>,
      %get3A_100 = arith.index_cast %scan3A_63 : i32 to index
      %get3A_101 = arith.constant 32 : index
      %get3A_102 = tpu.vector_load %arg7[%get3A_100, %get3A_101] {strides = array<i32>} : memref<16x128xf32, #tpu.memory_space<vmem>>, vector<16xf32>,
      %max3A_103 = arith.maximumf %get3A_99, %get3A_102 : vector<16xf32>
      %get3A_104 = arith.index_cast %scan3A_63 : i32 to index
      %get3A_105 = arith.constant 32 : index
      %get3A_106 = tpu.vector_load %arg8[%get3A_104, %get3A_105] {strides = array<i32>} : memref<16x128xf32, #tpu.memory_space<vmem>>, vector<16xf32>,
      %get3A_107 = arith.index_cast %scan3A_63 : i32 to index
      %get3A_108 = arith.constant 32 : index
      %get3A_109 = tpu.vector_load %arg9[%get3A_107, %get3A_108] {strides = array<i32>} : memref<16x128xf32, #tpu.memory_space<vmem>>, vector<16xf32>,
      %max3A_110 = arith.maximumf %get3A_106, %get3A_109 : vector<16xf32>
      %max3A_111 = arith.maximumf %max3A_103, %max3A_110 : vector<16xf32>
      %swap3A_112 = arith.index_cast %scan3A_63 : i32 to index
      %swap3A_113 = arith.constant 32 : index
      %swap3A_114 = tpu.vector_load %arg6[%swap3A_112, %swap3A_113] {strides = array<i32>} : memref<16x128xf32, #tpu.memory_space<vmem>>, vector<16xf32>,
      tpu.vector_store %arg6[%swap3A_112, %swap3A_113], %max3A_111 {strides = array<i32>} : memref<16x128xf32, #tpu.memory_space<vmem>>, vector<16xf32>,
      %get3A_115 = arith.index_cast %scan3A_63 : i32 to index
      %get3A_116 = arith.constant 48 : index
      %get3A_117 = tpu.vector_load %arg6[%get3A_115, %get3A_116] {strides = array<i32>} : memref<16x128xf32, #tpu.memory_space<vmem>>, vector<16xf32>,
      %get3A_118 = arith.index_cast %scan3A_63 : i32 to index
      %get3A_119 = arith.constant 48 : index
      %get3A_120 = tpu.vector_load %arg7[%get3A_118, %get3A_119] {strides = array<i32>} : memref<16x128xf32, #tpu.memory_space<vmem>>, vector<16xf32>,
      %max3A_121 = arith.maximumf %get3A_117, %get3A_120 : vector<16xf32>
      %get3A_122 = arith.index_cast %scan3A_63 : i32 to index
      %get3A_123 = arith.constant 48 : index
      %get3A_124 = tpu.vector_load %arg8[%get3A_122, %get3A_123] {strides = array<i32>} : memref<16x128xf32, #tpu.memory_space<vmem>>, vector<16xf32>,
      %get3A_125 = arith.index_cast %scan3A_63 : i32 to index
      %get3A_126 = arith.constant 48 : index
      %get3A_127 = tpu.vector_load %arg9[%get3A_125, %get3A_126] {strides = array<i32>} : memref<16x128xf32, #tpu.memory_space<vmem>>, vector<16xf32>,
      %max3A_128 = arith.maximumf %get3A_124, %get3A_127 : vector<16xf32>
      %max3A_129 = arith.maximumf %max3A_121, %max3A_128 : vector<16xf32>
      %swap3A_130 = arith.index_cast %scan3A_63 : i32 to index
      %swap3A_131 = arith.constant 48 : index
      %swap3A_132 = tpu.vector_load %arg6[%swap3A_130, %swap3A_131] {strides = array<i32>} : memref<16x128xf32, #tpu.memory_space<vmem>>, vector<16xf32>,
      tpu.vector_store %arg6[%swap3A_130, %swap3A_131], %max3A_129 {strides = array<i32>} : memref<16x128xf32, #tpu.memory_space<vmem>>, vector<16xf32>,
    }
    %scan3A_57 = arith.constant 16 : i32
    %convert_element_type3A = arith.extui %eq3A_45 : i1 to i32
    %cond3A = arith.constant 0 : i32
    %cond3A_58 = arith.cmpi ne, %convert_element_type3A, %cond3A : i32
    scf.if %cond3A_58 {
      "tpu.region"() ({
        %run_scoped3A = tpu.sem_alloc : memref<!tpu.dma_semaphore, #tpu.memory_space<semaphore_mem>>
        %dma_start3A_63 = arith.constant 0 : i32
        %dma_start3A_64 = tpu.memref_slice %arg3[%mul3A_0, %dma_start3A_63] : memref<256x128xf32, #tpu.memory_space<hbm>> -> memref<16x128xf32, #tpu.memory_space<hbm>>
        %dma_start3A_65 = arith.constant 0 : i32
        %dma_start3A_66 = tpu.memref_slice %arg3[%mul3A_0, %dma_start3A_65] : memref<256x128xf32, #tpu.memory_space<hbm>> -> memref<16x128xf32, #tpu.memory_space<hbm>>
        tpu.enqueue_dma source(%arg6 : memref<16x128xf32, #tpu.memory_space<vmem>>) target(%dma_start3A_66 : memref<16x128xf32, #tpu.memory_space<hbm>>) target_semaphore(%run_scoped3A : memref<!tpu.dma_semaphore, #tpu.memory_space<semaphore_mem>>)
        %dma_wait3A_67 = arith.constant 0 : i32
        %dma_wait3A_68 = tpu.memref_slice %arg3[%mul3A_0, %dma_wait3A_67] : memref<256x128xf32, #tpu.memory_space<hbm>> -> memref<16x128xf32, #tpu.memory_space<hbm>>
        %dma_wait3A_69 = arith.constant 0 : i32
        %dma_wait3A_70 = tpu.memref_slice %arg3[%mul3A_0, %dma_wait3A_69] : memref<256x128xf32, #tpu.memory_space<hbm>> -> memref<16x128xf32, #tpu.memory_space<hbm>>
        tpu.wait_dma2 semaphore(%run_scoped3A : memref<!tpu.dma_semaphore, #tpu.memory_space<semaphore_mem>>) src(%arg6 : memref<16x128xf32, #tpu.memory_space<vmem>>) dst(%dma_wait3A_70 : memref<16x128xf32, #tpu.memory_space<hbm>>)
        tpu.yield
      }) : () -> ()
    } else {
    }
    %not3A = arith.constant true
    %not3A_59 = arith.xori %eq3A_45, %not3A : i1
    %convert_element_type3A_60 = arith.extui %not3A_59 : i1 to i32
    %cond3A_61 = arith.constant 0 : i32
    %cond3A_62 = arith.cmpi ne, %convert_element_type3A_60, %cond3A_61 : i32
    scf.if %cond3A_62 {
      "tpu.region"() ({
        %run_scoped3A = tpu.sem_alloc : memref<!tpu.dma_semaphore, #tpu.memory_space<semaphore_mem>>
        %dma_start3A_63 = arith.constant 0 : i32
        %dma_start3A_64 = tpu.memref_slice %arg4[%mul3A_0, %dma_start3A_63] : memref<256x128xf32, #tpu.memory_space<hbm>> -> memref<16x128xf32, #tpu.memory_space<hbm>>
        %dma_start3A_65 = arith.constant 0 : i32
        %dma_start3A_66 = tpu.memref_slice %arg4[%mul3A_0, %dma_start3A_65] : memref<256x128xf32, #tpu.memory_space<hbm>> -> memref<16x128xf32, #tpu.memory_space<hbm>>
        tpu.enqueue_dma source(%arg6 : memref<16x128xf32, #tpu.memory_space<vmem>>) target(%dma_start3A_66 : memref<16x128xf32, #tpu.memory_space<hbm>>) target_semaphore(%run_scoped3A : memref<!tpu.dma_semaphore, #tpu.memory_space<semaphore_mem>>)
        %dma_wait3A_67 = arith.constant 0 : i32
        %dma_wait3A_68 = tpu.memref_slice %arg4[%mul3A_0, %dma_wait3A_67] : memref<256x128xf32, #tpu.memory_space<hbm>> -> memref<16x128xf32, #tpu.memory_space<hbm>>
        %dma_wait3A_69 = arith.constant 0 : i32
        %dma_wait3A_70 = tpu.memref_slice %arg4[%mul3A_0, %dma_wait3A_69] : memref<256x128xf32, #tpu.memory_space<hbm>> -> memref<16x128xf32, #tpu.memory_space<hbm>>
        tpu.wait_dma2 semaphore(%run_scoped3A : memref<!tpu.dma_semaphore, #tpu.memory_space<semaphore_mem>>) src(%arg6 : memref<16x128xf32, #tpu.memory_space<vmem>>) dst(%dma_wait3A_70 : memref<16x128xf32, #tpu.memory_space<hbm>>)
        tpu.yield
      }) : () -> ()
    } else {
    }
    return
  }
}

module attributes {stable_mosaic.version = 14 : i64} {
  func.func @_loss_kernel(%arg0: memref<256x128xf32, #tpu.memory_space<vmem>>, %arg1: memref<256x128xf32, #tpu.memory_space<vmem>>, %arg2: memref<256x128xf32, #tpu.memory_space<vmem>>, %arg3: memref<256x128xf32, #tpu.memory_space<vmem>>, %arg4: memref<1x1xf32, #tpu.memory_space<smem>>) attributes {dimension_semantics = [], scalar_prefetch = 0 : i64, scratch_operands = 0 : i64, tpu.core_type = #tpu.core_type<tc>} {
    %get3A = arith.constant 0 : index
    %get3A_0 = arith.constant 0 : index
    %get3A_1 = vector.load %arg0[%get3A, %get3A_0] : memref<256x128xf32, #tpu.memory_space<vmem>>, vector<256x128xf32>
    %get3A_2 = arith.constant 0 : index
    %get3A_3 = arith.constant 0 : index
    %get3A_4 = vector.load %arg2[%get3A_2, %get3A_3] : memref<256x128xf32, #tpu.memory_space<vmem>>, vector<256x128xf32>
    %sub3A = arith.subf %get3A_1, %get3A_4 : vector<256x128xf32>
    %abs3A = math.absf %sub3A : vector<256x128xf32>
    %lt3A = arith.constant 2.000000e-01 : f32
    %lt3A_5 = vector.broadcast %lt3A : f32 to vector<256x128xf32>
    %lt3A_6 = arith.cmpf olt, %abs3A, %lt3A_5 : vector<256x128xf32>
    %ne3A = arith.constant 0.000000e+00 : f32
    %ne3A_7 = vector.broadcast %ne3A : f32 to vector<256x128xf32>
    %ne3A_8 = arith.cmpf one, %get3A_1, %ne3A_7 : vector<256x128xf32>
    %and3A = arith.andi %lt3A_6, %ne3A_8 : vector<256x128xi1>
    %jit3A = arith.constant 0.000000e+00 : f32
    %broadcast_in_dim3A = vector.broadcast %jit3A : f32 to vector<256x128xf32>
    %select_n3A = arith.select %and3A, %abs3A, %broadcast_in_dim3A : vector<256x128xi1>, vector<256x128xf32>
    %reduce_sum3A = vector.shape_cast %select_n3A : vector<256x128xf32> to vector<1x256x128xf32>
    %reduce_sum3A_9 = arith.constant dense<0.000000e+00> : vector<1xf32>
    %reduce_sum3A_10 = vector.multi_reduction <add>, %reduce_sum3A, %reduce_sum3A_9 [1, 2] : vector<1x256x128xf32> to vector<1xf32>
    %reduce_sum3A_11 = vector.shape_cast %reduce_sum3A_10 : vector<1xf32> to vector<1x1x1xf32>
    %reduce_sum3A_12 = vector.extract %reduce_sum3A_11[0, 0, 0] : f32 from vector<1x1x1xf32>
    %get3A_13 = arith.constant 0 : index
    %get3A_14 = arith.constant 0 : index
    %get3A_15 = vector.load %arg1[%get3A_13, %get3A_14] : memref<256x128xf32, #tpu.memory_space<vmem>>, vector<256x128xf32>
    %get3A_16 = arith.constant 0 : index
    %get3A_17 = arith.constant 0 : index
    %get3A_18 = vector.load %arg3[%get3A_16, %get3A_17] : memref<256x128xf32, #tpu.memory_space<vmem>>, vector<256x128xf32>
    %sub3A_19 = arith.subf %get3A_15, %get3A_18 : vector<256x128xf32>
    %abs3A_20 = math.absf %sub3A_19 : vector<256x128xf32>
    %lt3A_21 = arith.constant 2.000000e-01 : f32
    %lt3A_22 = vector.broadcast %lt3A_21 : f32 to vector<256x128xf32>
    %lt3A_23 = arith.cmpf olt, %abs3A_20, %lt3A_22 : vector<256x128xf32>
    %ne3A_24 = arith.constant 0.000000e+00 : f32
    %ne3A_25 = vector.broadcast %ne3A_24 : f32 to vector<256x128xf32>
    %ne3A_26 = arith.cmpf one, %get3A_15, %ne3A_25 : vector<256x128xf32>
    %and3A_27 = arith.andi %lt3A_23, %ne3A_26 : vector<256x128xi1>
    %jit3A_28 = arith.constant 0.000000e+00 : f32
    %broadcast_in_dim3A_29 = vector.broadcast %jit3A_28 : f32 to vector<256x128xf32>
    %select_n3A_30 = arith.select %and3A_27, %abs3A_20, %broadcast_in_dim3A_29 : vector<256x128xi1>, vector<256x128xf32>
    %reduce_sum3A_31 = vector.shape_cast %select_n3A_30 : vector<256x128xf32> to vector<1x256x128xf32>
    %reduce_sum3A_32 = arith.constant dense<0.000000e+00> : vector<1xf32>
    %reduce_sum3A_33 = vector.multi_reduction <add>, %reduce_sum3A_31, %reduce_sum3A_32 [1, 2] : vector<1x256x128xf32> to vector<1xf32>
    %reduce_sum3A_34 = vector.shape_cast %reduce_sum3A_33 : vector<1xf32> to vector<1x1x1xf32>
    %reduce_sum3A_35 = vector.extract %reduce_sum3A_34[0, 0, 0] : f32 from vector<1x1x1xf32>
    %add3A = arith.addf %reduce_sum3A_12, %reduce_sum3A_35 : f32
    %mul3A = arith.constant 1.52587891E-5 : f32
    %mul3A_36 = arith.mulf %add3A, %mul3A : f32
    %swap3A = arith.constant 0 : index
    %swap3A_37 = arith.constant 0 : index
    %swap3A_38 = memref.load %arg4[%swap3A, %swap3A_37] : memref<1x1xf32, #tpu.memory_space<smem>>
    memref.store %mul3A_36, %arg4[%swap3A, %swap3A_37] : memref<1x1xf32, #tpu.memory_space<smem>>
    return
  }
}

</mosaic_0001>

<sc_bundles>
// kernel: kernel.4.cloned.1.call-start
scs
__scs_entry_jumppad:
0x0: {  	(pc) =	sbr.rel $0x88, $3  }
0x1: {  	(tag) =	ssettag $0x0;
	lr =	simm.s32 $0x1  }
0x2: {  	[smem:$0x3F9E] =	sst lr;
	_ =	strace $0xD0000000  }
0x3: {  	_ = 	snop  }
0x4: {  	_ = 	snop  }
0x5: {  	_ = 	snop  }
0x6: {  	_ = 	snop  }
0x7: {  	_ = 	snop  }
__scs_overlays_trampoline_lowered:
0x8: {  	[smem:$0x3FAD] =	sst s0  }
0x9: {  	[smem:$0x3FAE] =	sst s1  }
0xa: {  	[smem:$0x3FAF] =	sst s2  }
0xb: {  	[smem:$0x3FB0] =	sst s3  }
0xc: {  	[smem:$0x3FB1] =	sst s4  }
0xd: {  	[smem:$0x3FB2] =	sst s5  }
0xe: {  	[smem:$0x3FB3] =	sst s6  }
0xf: {  	[smem:$0x3FB4] =	sst s7  }
0x10: {  	[smem:$0x3FB5] =	sst s8  }
0x11: {  	[smem:$0x3FB6] =	sst s9;
	s0 =	simm.s32 @!p0 $0x0  }
0x12: {  	s1 =	sld [smem:$0x3F9C];
	s0 =	simm.s32 @p0 $0x1  }
0x13: {  	[smem:$0x3FB7] =	sst s0;
	s0 =	simm.s32 @!p1 $0x0  }
0x14: {  	s2 =	sld [smem:$0x3F9B];
	s0 =	simm.s32 @p1 $0x1  }
0x15: {  	[smem:$0x3FB8] =	sst s0;
	s0 =	simm.s32 @!p2 $0x0  }
0x16: {  	s3 =	sld [smem:$0x3FDB];
	s0 =	simm.s32 @p2 $0x1  }
0x17: {  	s4 =	simm.s32 $0x1BF5;
	[smem:$0x3FBA] =	sst s0  }
0x18: {  	s0 =	sld [smem:$0x3F9D];
	_ =	swait.ge [sflag:s4], $0x0  }
0x19: {  	s7 =	sld [smem:$0x3F9E]  }
0x1a: {  	s8 =	sadd.s32 $0xFFFFE003, lr  }
0x1b: {  	s9 =	sadd.s32 $0xFFFFFEF7, lr;
	s5 =	simm.s32 $0xFFFFFFFF;
	p2 =	slt.u32 s8, $0xFFFFF086  }
0x1c: {  	p1 =	slt.u32 s9, $0xF7A;
	s5 =	simm.s32 @!p2 $0x0  }
0x1d: {  	s5 =	simm.s32 @p1 $0x1;
	p0 =	seq.s32 s7, s2  }
0x1e: {  	s7 =	smul.u32 @!p0 $0xF7A, s2;
	p2 =	seq.s32 @!p0 s5, $0x0  }
0x1f: {  	s9 =	smul.u32 $0xF7A, s1;
	s8 =	simm.s32 @!p0 $0x1BF5;
	p2 =	por !p2, p0  }
0x20: {  	[sflag:s8] =	ssyncset.s32 @!p0 $0xFFFFF086;
	s6 =	sadd.s32 @!p0 s3, s7;
	s7 =	simm.s32 @!p0 $0x108  }
0x21: {  	s3 =	sadd.s32 s3, s9;
	s6 =	sadd.s32 @!p0 $0x88, s6;
	s7 =	simm.s32 @p2 $0x1082  }
0x22: {  	[simem:s7], [sflag:s8] =	dma.local @!p0 [hbm:s6], $0xF7A  }
0x23: {  	s9 =	sor.u32 $0xD0000000, s2;
	s6 =	simm.s32 $0x108;
	_ =	swait.ge @!p0 [sflag:s8], $0x0  }
0x24: {  	s3 =	sadd.s32 $0x88, s3;
	s6 =	simm.s32 @!p1 $0x1082;
	[sflag:s4] =	ssyncset.s32 $0xFFFFF086  }
0x25: {  	[simem:s6], [sflag:s4] =	dma.local [hbm:s3], $0xF7A  }
0x26: {  	[smem:$0x3F9E] =	sst s1;
	(tag) =	ssettag s2;
	_ =	strace s9  }
0x27: {  	s1 =	sld [smem:$0x3FAE]  }
0x28: {  	s2 =	sld [smem:$0x3FAF]  }
0x29: {  	s4 =	sld [smem:$0x3FB1]  }
0x2a: {  	p0 =	seq.s32 s5, $0x0;
	s5 =	sld [smem:$0x3FB2]  }
0x2b: {  	s6 =	sld [smem:$0x3FB3]  }
0x2c: {  	s7 =	sld [smem:$0x3FB4]  }
0x2d: {  	s3 =	simm.s32 $0x108;
	s8 =	sld [smem:$0x3FB5]  }
0x2e: {  	s3 =	simm.s32 @!p0 $0x1082;
	s9 =	sld [smem:$0x3FB6]  }
0x2f: {  	lr =	sadd.s32 s0, s3;
	s0 =	sld [smem:$0x3FAD]  }
0x30: {  	s3 =	sld [smem:$0x3FB0]  }
0x31: {  	[smem:$0x3FB9] =	sst s10  }
0x32: {  	s10 =	sld [smem:$0x3FB7];
	_ =	sdelay $0x3  }
0x33: {  	p0 =	seq.s32 s10, $0x1;
	s10 =	sld [smem:$0x3FB9];
	_ =	sdelay $0x3  }
0x34: {  	[smem:$0x3FB9] =	sst s10  }
0x35: {  	s10 =	sld [smem:$0x3FB8];
	_ =	sdelay $0x3  }
0x36: {  	p1 =	seq.s32 s10, $0x1;
	s10 =	sld [smem:$0x3FB9];
	_ =	sdelay $0x3  }
0x37: {  	[smem:$0x3FB9] =	sst s10  }
0x38: {  	s10 =	sld [smem:$0x3FBA]  }
0x39: {  	_ = 	snop;
	(pc) =	sbr.ind lr, $3  }
0x3a: {  	_ = 	snop  }
0x3b: {  	_ = 	snop  }
0x3c: {  	p2 =	seq.s32 s10, $0x1;
	s10 =	sld [smem:$0x3FB9]  }
0x3d: {  	_ =	shalt  }
0x3e: {  	_ =	shalt  }
0x3f: {  	_ =	shalt  }
0x40: {  	_ =	shalt  }
0x41: {  	_ =	shalt  }
0x42: {  	_ =	shalt  }
0x43: {  	_ =	shalt  }
0x44: {  	_ =	shalt  }
0x45: {  	_ =	shalt  }
0x46: {  	_ =	shalt  }
0x47: {  	_ =	shalt  }
0x48: {  	_ =	shalt  }
0x49: {  	_ =	shalt  }
0x4a: {  	_ =	shalt  }
0x4b: {  	_ =	shalt  }
0x4c: {  	_ =	shalt  }
0x4d: {  	_ =	shalt  }
0x4e: {  	_ =	shalt  }
0x4f: {  	_ =	shalt  }
0x50: {  	_ =	shalt  }
0x51: {  	_ =	shalt  }
0x52: {  	_ =	shalt  }
0x53: {  	_ =	shalt  }
0x54: {  	_ =	shalt  }
0x55: {  	_ =	shalt  }
0x56: {  	_ =	shalt  }
0x57: {  	_ =	shalt  }
0x58: {  	_ =	shalt  }
0x59: {  	_ =	shalt  }
0x5a: {  	_ =	shalt  }
0x5b: {  	_ =	shalt  }
0x5c: {  	_ =	shalt  }
0x5d: {  	_ =	shalt  }
0x5e: {  	_ =	shalt  }
0x5f: {  	_ =	shalt  }
0x60: {  	_ =	shalt  }
0x61: {  	_ =	shalt  }
0x62: {  	_ =	shalt  }
0x63: {  	_ =	shalt  }
0x64: {  	_ =	shalt  }
0x65: {  	_ =	shalt  }
0x66: {  	_ =	shalt  }
0x67: {  	_ =	shalt  }
0x68: {  	_ =	shalt  }
0x69: {  	_ =	shalt  }
0x6a: {  	_ =	shalt  }
0x6b: {  	_ =	shalt  }
0x6c: {  	_ =	shalt  }
0x6d: {  	_ =	shalt  }
0x6e: {  	_ =	shalt  }
0x6f: {  	_ =	shalt  }
0x70: {  	_ =	shalt  }
0x71: {  	_ =	shalt  }
0x72: {  	_ =	shalt  }
0x73: {  	_ =	shalt  }
0x74: {  	_ =	shalt  }
0x75: {  	_ =	shalt  }
0x76: {  	_ =	shalt  }
0x77: {  	_ =	shalt  }
0x78: {  	_ =	shalt  }
0x79: {  	_ =	shalt  }
0x7a: {  	_ =	shalt  }
0x7b: {  	_ =	shalt  }
0x7c: {  	_ =	shalt  }
0x7d: {  	_ =	shalt  }
0x7e: {  	_ =	shalt  }
0x7f: {  	_ =	shalt  }
0x80: {  	_ =	shalt  }
0x81: {  	_ =	shalt  }
0x82: {  	_ =	shalt  }
0x83: {  	_ =	shalt  }
0x84: {  	_ =	shalt  }
0x85: {  	_ =	shalt  }
0x86: {  	_ =	shalt  }
0x87: {  	_ =	shalt  }
.Lfunc_end0:
.L_simem_size_0:
called_computation_lowered:
.L_overlay_start_0:
0x88: {  	s2 =	sld [smem:$0x3FD9]  }
0x89: {  	s3 =	sld [smem:$0x3FFE];
	_ =	sdelay $0x1  }
0x8a: {  	s1 =	srdreg.scid  }
0x8b: {  	s0 =	sand.u32 $0x1, s1  }
0x8c: {  	s17 =	sshll.u32 s0, $0xA;
	s2 =	sadd.s32 s3, s2  }
0x8d: {  	s2 =	sadd.s32 s2, s17  }
0x8e: {  	[smem:$0x3FC5] =	sst s2  }
0x8f: {  	_ = 	snop  }
0x90: {  	s2 =	sld [smem:$0x3FC9];
	(tm) =	ssettm $0x1  }
0x91: {  	s18 =	sld [smem:$0x3FFB];
	_ =	sdelay $0x3  }
0x92: {  	_ =	strace s18  }
0x93: {  	s3 =	sld [smem:$0x3FFC];
	_ =	sdelay $0x3  }
0x94: {  	_ =	strace s3  }
0x95: {  	s3 =	sld [smem:$0x3FFD];
	_ =	sdelay $0x3  }
0x96: {  	_ =	strace s3  }
0x97: {  	_ =	strace $0x8FFFFFFF  }
0x98: {  	s19 =	sld [smem:$0x3FDB];
	_ =	sdelay $0x1  }
0x99: {  	s4 =	simm.s32 $_scs_section_size  }
0x9a: {  	s5 =	simm.s32 $_size__tile_overlayer_lowered;
	s6 =	simm.s32 $_tile_overlayer_lowered  }
0x9b: {  	s22 =	simm.s32 $0x1BFF;
	s21 =	sshll.u32 s6, $0x1;
	s3 =	sadd.s32 s4, s19  }
0x9c: {  	s7 =	simm.s32 $0x0;
	s20 =	sshll.u32 s5, $0x1;
	s5 =	sadd.s32 s21, s3  }
0x9d: {  	[timem:s7], [sflag:s22] =	dma.local [hbm:s5], s20  }
0x9e: {  	_ =	swait.ge [sflag:s22], s20  }
0x9f: {  	s4 =	ssub.s32 $0x0, s20;
	[sflag:s22] =	ssyncset.done $0x0  }
0xa0: {  	[sflag:s22] =	ssyncadd.s32 s4;
	_ =	sdelay $0x1  }
0xa1: {  	s23 =	simm.s32 $0x1B8B  }
0xa2: {  	_ =	swait.ge [sflag:s23], $0x1  }
0xa3: {  	[sflag:s23] =	ssyncset.done $0x0  }
0xa4: {  	s25 =	simm.s32 $0x1B8E;
	s24 =	sld [smem:$0x3FFE];
	[sflag:s23] =	ssyncadd.s32 $0xFFFFFFFF  }
0xa5: {  	s26 =	simm.s32 $execute0_lowered;
	[smem:$0x3FD2] =	sst s25  }
0xa6: {  	s5 =	sshll.u32 s26, $0x1;
	_ =	strace $0x80000046;
	[dreg:$0x1] =	wrdreg $0xFFFFFFFF  }
0xa7: {  	s28 =	simm.s32 $_size_execute0_lowered;
	s3 =	sadd.s32 s3, s5;
	[dreg:$0x0] =	wrdreg $0x0  }
0xa8: {  	s5 =	sshll.u32 s28, $0x1;
	[dreg:$0x2] =	wrdreg s3  }
0xa9: {  	[dreg:$0x3] =	wrdreg s5  }
0xaa: {  	[dreg:$0x4] =	wrdreg $0xC0  }
0xab: {  	_ =	task [dreg:s7], $0x5FFFF  }
0xac: {  	[dreg:$0x1] =	wrdreg $0xFFFFFFFF  }
0xad: {  	[dreg:$0x0] =	wrdreg $0x60  }
0xae: {  	[dreg:$0x2] =	wrdreg s2  }
0xaf: {  	[dreg:$0x3] =	wrdreg s24  }
0xb0: {  	[dreg:$0x4] =	wrdreg $0x9  }
0xb1: {  	_ =	task.clear_ibuf [dreg:s7], $0x5FFFF;
	_ =	strace $0x90000046  }
0xb2: {  	s29 =	simm.s32 $0x9;
	_ =	strace $0x80000048  }
0xb3: {  	_ =	swait.ge [sflag:s29], $0x1  }
0xb4: {  	[sflag:s29] =	ssyncadd.s32 $0xFFFFFFFF  }
0xb5: {  	_ =	strace $0x90000048  }
0xb6: {  	_ =	sfence  }
0xb7: {  	s30 =	sld [smem:$0x0];
	_ =	sdelay $0x2  }
0xb8: {  	s31 =	sshll.u32 s1, $0xD;
	s1 =	sshrl.u32 s1, $0x2  }
0xb9: {  	s3 =	sand.u32 $0x4000, s31;
	s1 =	sadd.s32 s1, s30  }
0xba: {  	s0 =	sor.u32 s3, s0;
	s1 =	sshll.u32 s1, $0x11  }
0xbb: {  	s0 =	sor.u32 s1, s0  }
0xbc: {  	s0 =	sadd.s32 $0x8F2B, s0  }
0xbd: {  	[sflag:s0] =	ssyncadd.remote.s32 $0x1  }
0xbe: {  	_ =	sfence.sel $0xFFFF  }
0xbf: {  	[dreg:$0x0] =	wrdreg $0xFFFFFFFF;
	(pc) =	sbr.abs _section_cstart, $3  }
0xc0: {  	[dreg:$0x1] =	wrdreg $0xFFFFFFFF  }
0xc1: {  	_ =	task.clear_ibuf [dreg:s7], $0x2FFFF;
	_ =	strace $0x9FFFFFFF  }
0xc2: {  	(tm) =	ssettm $0x7FFFFFFF  }
0xc3: {  	_ =	shalt  }
tec
execute0_lowered:
.L_overlay_start_1:
0x0: {  	(tag) =	ssettag $0x1  }
0x1: {  	s4 =	rddreg [dreg:$0x0]  }
0x2: {  	s0 =	srdreg.scid;
	s5 =	rddreg [dreg:$0x1];
	s2 =	simm.s32 $0x0  }
0x3: {  	s1 =	stileid.u32;
	s9 =	simm.s32 $0x1000;
	s10 =	simm.s32 $0x4800  }
0x4: {  	s11 =	simm.s32 $0x5000;
	s6 =	sand.u32 $0x1, s0;
	s0 =	rddreg [dreg:$0x2]  }
0x5: {  	s31 =	simm.s32 $0x5800;
	s12 =	simm.s32 $0x0;
	[smem:$0x7FF] =	sst s2  }
0x6: {  	s8 =	sshll.u32 s1, $0x4;
	s30 =	sshll.u32 s1, $0x8;
	s3 =	ssub.s32 $0x2, s6  }
0x7: {  	_ =	strace $0x80000047;
	p0 =	seq.s32 s6, $0x0;
	[dreg:$0x3] =	wrdreg s10  }
0x8: {  	s6 =	sshll.u32 s6, $0xC;
	s10 =	simm.s32 $0x4000;
	[dreg:$0x4] =	wrdreg s11  }
0x9: {  	[dreg:$0x5] =	wrdreg s31;
	s11 =	simm.s32 $0x2;
	s7 =	sshrl.u32 s3, $0x1  }
0xa: {  	v0 =	vlaneseq.u32;
	s9 =	simm.s32 @!p0 $0x2000;
	s4 =	sadd.s32 s4, s6;
	s7 =	ssub.s32 s3, s7  }
0xb: {  	v1 =	vmul.u32 $0x80, v0;
	s3 =	sand.u32 $0x70, s8;
	s8 =	sand.u32 $0x80, s8;
	s9 =	sadd.s32 s9, s5  }
0xc: {  	s4 =	sadd.s32 s8, s4;
	s5 =	smax.u32 s7, $0x1;
	s6 =	sadd.s32 s9, s30  }
0xd: {  	v0 =	vimm.f32 $0.0e+00;
	v1 =	vadd.s32 $0xB4FFFF92, v1;
	s7 =	simm.s32 $0x400;
	s8 =	simm.s32 $0x800;
	s9 =	simm.s32 $0x1  }
.LBB2_1:
0xe: {  	[tilespmem:s2], [sflag:$0x1] =	stream.strided.gather [hbm4b:s4+s7], $0x4000, s8, s7, $0x38;
	[tilespmem:$0x6000] =	vst v63  }
0xf: {  	s13 =	simm.s32 $0x0;
	s14 =	simm.s32 $0x200  }
.LBB2_2:
0x10: {  	p1 =	sne.s32 s14, $0x1E00;
	[tilespmem:s13+$0x5870] =	vst v0  }
0x11: {  	[tilespmem:s13+$0x4000] =	vst v0  }
0x12: {  	[tilespmem:s13+$0x4010] =	vst v0  }
0x13: {  	[tilespmem:s13+$0x4020] =	vst v0  }
0x14: {  	[tilespmem:s13+$0x4030] =	vst v0  }
0x15: {  	[tilespmem:s13+$0x4040] =	vst v0  }
0x16: {  	[tilespmem:s13+$0x4050] =	vst v0  }
0x17: {  	[tilespmem:s13+$0x4060] =	vst v0  }
0x18: {  	[tilespmem:s13+$0x4070] =	vst v0  }
0x19: {  	[tilespmem:s13+$0x4800] =	vst v0  }
0x1a: {  	[tilespmem:s13+$0x4810] =	vst v0  }
0x1b: {  	[tilespmem:s13+$0x4820] =	vst v0  }
0x1c: {  	[tilespmem:s13+$0x4830] =	vst v0  }
0x1d: {  	[tilespmem:s13+$0x4840] =	vst v0  }
0x1e: {  	[tilespmem:s13+$0x4850] =	vst v0  }
0x1f: {  	[tilespmem:s13+$0x4860] =	vst v0  }
0x20: {  	[tilespmem:s13+$0x4870] =	vst v0  }
0x21: {  	[tilespmem:s13+$0x5000] =	vst v0  }
0x22: {  	[tilespmem:s13+$0x5010] =	vst v0  }
0x23: {  	[tilespmem:s13+$0x5020] =	vst v0  }
0x24: {  	[tilespmem:s13+$0x5030] =	vst v0  }
0x25: {  	[tilespmem:s13+$0x5040] =	vst v0  }
0x26: {  	[tilespmem:s13+$0x5050] =	vst v0  }
0x27: {  	[tilespmem:s13+$0x5060] =	vst v0  }
0x28: {  	[tilespmem:s13+$0x5070] =	vst v0  }
0x29: {  	[tilespmem:s13+$0x5800] =	vst v0  }
0x2a: {  	[tilespmem:s13+$0x5810] =	vst v0  }
.Ltmp0:
0x2b: {  	[tilespmem:s13+$0x5820] =	vst v0;
	(pc) =	sbr.rel @p1 .LBB2_2-.Ltmp0, $4  }
0x2c: {  	[tilespmem:s13+$0x5830] =	vst v0  }
0x2d: {  	[tilespmem:s13+$0x5840] =	vst v0  }
0x2e: {  	[tilespmem:s13+$0x5850] =	vst v0  }
0x2f: {  	[tilespmem:s13+$0x5860] =	vst v0;
	s13 =	sshra.s32 s14, $0x2;
	s14 =	sadd.s32 $0x200, s14  }
0x30: {  	[tilespmem:s13+$0x5870] =	vst v0  }
0x31: {  	[tilespmem:s13+$0x4000] =	vst v0  }
0x32: {  	[tilespmem:s13+$0x4010] =	vst v0  }
0x33: {  	[tilespmem:s13+$0x4020] =	vst v0  }
0x34: {  	[tilespmem:s13+$0x4030] =	vst v0  }
0x35: {  	[tilespmem:s13+$0x4040] =	vst v0  }
0x36: {  	[tilespmem:s13+$0x4050] =	vst v0  }
0x37: {  	[tilespmem:s13+$0x4060] =	vst v0  }
0x38: {  	[tilespmem:s13+$0x4070] =	vst v0  }
0x39: {  	[tilespmem:s13+$0x4800] =	vst v0  }
0x3a: {  	[tilespmem:s13+$0x4810] =	vst v0  }
0x3b: {  	[tilespmem:s13+$0x4820] =	vst v0  }
0x3c: {  	[tilespmem:s13+$0x4830] =	vst v0  }
0x3d: {  	[tilespmem:s13+$0x4840] =	vst v0  }
0x3e: {  	[tilespmem:s13+$0x4850] =	vst v0  }
0x3f: {  	[tilespmem:s13+$0x4860] =	vst v0  }
0x40: {  	[tilespmem:s13+$0x4870] =	vst v0  }
0x41: {  	[tilespmem:s13+$0x5000] =	vst v0  }
0x42: {  	[tilespmem:s13+$0x5010] =	vst v0  }
0x43: {  	[tilespmem:s13+$0x5020] =	vst v0  }
0x44: {  	[tilespmem:s13+$0x5030] =	vst v0  }
0x45: {  	[tilespmem:s13+$0x5040] =	vst v0  }
0x46: {  	[tilespmem:s13+$0x5050] =	vst v0  }
0x47: {  	[tilespmem:s13+$0x5060] =	vst v0  }
0x48: {  	[tilespmem:s13+$0x5070] =	vst v0  }
0x49: {  	[tilespmem:s13+$0x5800] =	vst v0  }
0x4a: {  	[tilespmem:s13+$0x5810] =	vst v0  }
0x4b: {  	[tilespmem:s13+$0x5820] =	vst v0  }
0x4c: {  	[tilespmem:s13+$0x5830] =	vst v0  }
0x4d: {  	[tilespmem:s13+$0x5840] =	vst v0  }
0x4e: {  	[tilespmem:s13+$0x5850] =	vst v0  }
0x4f: {  	[tilespmem:s13+$0x5860] =	vst v0  }
0x50: {  	s13 =	simm.s32 $0x1F;
	s14 =	simm.s32 $0x0;
	_ =	swait.ge [sflag:s9], $0x4000  }
0x51: {  	s14 =	smov.u32 @p0 s13;
	[sflag:s9] =	ssyncset.done $0x0  }
0x52: {  	s15 =	sor.u32 $0x20, s14;
	s13 =	sshll.u32 s14, $0x7;
	s16 =	sor.u32 $0x40, s14  }
0x53: {  	[sflag:s9] =	ssyncadd.s32 $0xFFFFC000;
	s13 =	sand.u32 $0x3FFFFF80, s13;
	s17 =	sshll.u32 s15, $0x7  }
0x54: {  	s18 =	sshll.u32 s16, $0x7;
	s13 =	sor.u32 s13, s3;
	s17 =	sand.u32 $0x3FFFFF80, s17  }
0x55: {  	s28 =	sand.u32 $0x3FFFFF80, s18;
	v2 =	vld [tilespmem:s13+$0x0];
	s26 =	sor.u32 s17, s3  }
0x56: {  	s29 =	sor.u32 s28, s3;
	v3 =	vld [tilespmem:s26+$0x0]  }
0x57: {  	v4 =	vld [tilespmem:s29+$0x0]  }
0x58: {  	s14 =	sor.u32 $0x60, s14  }
0x59: {  	s30 =	sshll.u32 s14, $0x7  }
0x5a: {  	s13 =	sand.u32 $0x3FFFFF80, s30;
	v5 =	vmul.f32 $5.000000000e+01, v2  }
0x5b: {  	s13 =	sor.u32 s13, s3;
	v6 =	vmul.f32 $5.000000000e+01, v3  }
0x5c: {  	s17 =	simm.s32 $0x41;
	v7 =	vld [tilespmem:s13+$0x0];
	v8 =	vmul.f32 $5.000000000e+01, v4;
	v5 =	vadd.f32 $1.100000000e+02, v5  }
0x5d: {  	s15 =	smov.u32 @p0 s17;
	s17 =	simm.s32 $0x21;
	v6 =	vadd.f32 $1.100000000e+02, v6  }
0x5e: {  	s18 =	simm.s32 $0x0;
	s16 =	smov.u32 @p0 s17;
	s17 =	simm.s32 $0x61;
	v8 =	vadd.f32 $1.100000000e+02, v8;
	v5 =	vadd.f32 $8.388608000e+06, v5  }
0x5f: {  	s15 =	scvt.s32.f32 s15;
	s18 =	smov.u32 @p0 s17;
	vm0 =	vge.f32 v2, $2.349999920e-02;
	v2 =	vadd.f32 $8.388608000e+06, v6  }
0x60: {  	s21 =	simm.s32 $0x1;
	s20 =	rddreg [dreg:$0x5];
	s31 =	scvt.s32.f32 s18;
	vm1 =	vge.f32 v3, $2.349999920e-02;
	v3 =	vadd.f32 $8.388608000e+06, v8;
	v5 =	vadd.s32 v1, v5  }
0x61: {  	s23 =	rddreg [dreg:$0x3];
	s13 =	simm.s32 $0x1;
	s19 =	smul.f32 $1.666666750e-02, s15;
	vm2 =	vge.f32 v4, $2.349999920e-02;
	v62 =	vmul.f32 $5.000000000e+01, v7;
	v2 =	vadd.s32 v1, v2  }
0x62: {  	s14 =	smov.u32 @p0 s13;
	s16 =	scvt.s32.f32 s16;
	s15 =	smul.f32 $1.666666750e-02, s31;
	v3 =	vadd.s32 v1, v3  }
0x63: {  	s26 =	rddreg [dreg:$0x4];
	s17 =	simm.s32 $0x22;
	s14 =	scvt.s32.f32 s14;
	v4 =	vadd.f32 $1.100000000e+02, v62  }
0x64: {  	s18 =	simm.s32 $0x42;
	s22 =	smul.f32 $1.666666750e-02, s16;
	v63 =	vmov s15;
	s15 =	simm.s32 $0x1E  }
0x65: {  	s25 =	smul.f32 $1.666666750e-02, s14;
	s14 =	simm.s32 $0x2;
	s21 =	smov.u32 @p0 s15;
	v4 =	vadd.f32 $8.388608000e+06, v4;
	[tilespmem:v5+s10+$0x0] =	vst.idx.msk vm0, v63;
	v5 =	vmov s19  }
0x66: {  	s16 =	sor.u32 $0x40, s21;
	s24 =	sshll.u32 s21, $0x7;
	s19 =	sor.u32 $0x20, s21;
	[tilespmem:v2+s23+$0x0] =	vst.idx.msk vm1, v5;
	v5 =	vmov s22  }
0x67: {  	vm0 =	vge.f32 v7, $2.349999920e-02;
	v2 =	vadd.s32 v1, v4;
	s23 =	sand.u32 $0x3FFFFF80, s24;
	s24 =	sshll.u32 s19, $0x7;
	s22 =	sshll.u32 s16, $0x7;
	[tilespmem:v3+s26+$0x0] =	vst.idx.msk vm2, v5;
	v3 =	vmov s25  }
.LBB2_4:
0x68: {  	_ =	sdelay $0x4  }
0x69: {  	s23 =	sor.u32 s23, s3;
	s24 =	sand.u32 $0x3FFFFF80, s24;
	[tilespmem:v2+s20+$0x0] =	vst.idx.msk vm0, v3  }
0x6a: {  	s21 =	sor.u32 $0x60, s21;
	s22 =	sand.u32 $0x3FFFFF80, s22;
	v2 =	vld [tilespmem:s23+$0x0];
	s30 =	sor.u32 s24, s3  }
0x6b: {  	s31 =	sshll.u32 s21, $0x7;
	s22 =	sor.u32 s22, s3;
	v3 =	vld [tilespmem:s30+$0x0]  }
0x6c: {  	s25 =	sand.u32 $0x3FFFFF80, s31;
	v4 =	vld [tilespmem:s22+$0x0]  }
0x6d: {  	s26 =	sor.u32 s25, s3  }
0x6e: {  	v5 =	vld [tilespmem:s26+$0x0]  }
0x6f: {  	v6 =	vmul.f32 $5.000000000e+01, v2  }
0x70: {  	s16 =	smov.u32 @p0 s17;
	v7 =	vmul.f32 $5.000000000e+01, v3  }
0x71: {  	s16 =	scvt.s32.f32 s16;
	v8 =	vmul.f32 $5.000000000e+01, v4;
	v6 =	vadd.f32 $1.100000000e+02, v6  }
0x72: {  	s19 =	smov.u32 @p0 s18;
	v7 =	vadd.f32 $1.100000000e+02, v7  }
0x73: {  	s17 =	smov.u32 s13;
	s29 =	smul.f32 $1.666666750e-02, s16;
	s16 =	sadd.s32 $0x61, s13;
	v9 =	vmul.f32 $5.000000000e+01, v5;
	v8 =	vadd.f32 $1.100000000e+02, v8;
	v6 =	vadd.f32 $8.388608000e+06, v6  }
0x74: {  	s20 =	smov.u32 s14;
	s19 =	scvt.s32.f32 s19;
	s17 =	smov.u32 @p0 s16;
	vm1 =	vge.f32 v2, $2.349999920e-02;
	vm2 =	vge.f32 v3, $2.349999920e-02;
	v2 =	vadd.f32 $8.388608000e+06, v7  }
0x75: {  	s15 =	sadd.s32 $0xFFFFFFFF, s15;
	s21 =	smov.u32 @p0 s14;
	s16 =	scvt.s32.f32 s17;
	v62 =	vadd.f32 $1.100000000e+02, v9;
	v3 =	vadd.f32 $8.388608000e+06, v8;
	v6 =	vadd.s32 v1, v6  }
0x76: {  	s14 =	sadd.s32 $0x1, s14;
	s28 =	scvt.s32.f32 s21;
	s19 =	smul.f32 $1.666666750e-02, s19;
	vm3 =	vge.f32 v4, $2.349999920e-02;
	v63 =	vadd.s32 v1, v2  }
0x77: {  	p1 =	sne.s32 s14, $0x20;
	s30 =	rddreg [dreg:$0x3];
	s16 =	smul.f32 $1.666666750e-02, s16;
	v4 =	vadd.f32 $8.388608000e+06, v62;
	v3 =	vadd.s32 v1, v3  }
.Ltmp1:
0x78: {  	s13 =	smov.u32 s20;
	s20 =	rddreg [dreg:$0x5];
	(pc) =	sbr.rel @p1 .LBB2_4-.Ltmp1, $4  }
0x79: {  	s25 =	smul.f32 $1.666666750e-02, s28;
	s26 =	rddreg [dreg:$0x4];
	s21 =	smov.u32 s13;
	v2 =	vadd.s32 v1, v4;
	v4 =	vmov s16  }
0x7a: {  	s18 =	sadd.s32 $0x41, s13;
	s21 =	smov.u32 @p0 s15;
	s17 =	sadd.s32 $0x21, s13;
	[tilespmem:v6+s10+$0x0] =	vst.idx.msk vm1, v4;
	v4 =	vmov s19  }
0x7b: {  	s31 =	sshll.u32 s21, $0x7;
	s16 =	sor.u32 $0x40, s21;
	s19 =	sor.u32 $0x20, s21;
	[tilespmem:v63+s30+$0x0] =	vst.idx.msk vm2, v4;
	v4 =	vmov s29  }
0x7c: {  	s23 =	sand.u32 $0x3FFFFF80, s31;
	vm0 =	vge.f32 v5, $2.349999920e-02;
	s22 =	sshll.u32 s16, $0x7;
	s24 =	sshll.u32 s19, $0x7;
	[tilespmem:v3+s26+$0x0] =	vst.idx.msk vm3, v4;
	v3 =	vmov s25  }
0x7d: {  	_ =	sdelay $0x4  }
0x7e: {  	s15 =	sor.u32 $0x60, s21;
	s26 =	sor.u32 s23, s3;
	s28 =	sand.u32 $0x3FFFFF80, s24;
	[tilespmem:v2+s20+$0x0] =	vst.idx.msk vm0, v3  }
0x7f: {  	s30 =	sand.u32 $0x3FFFFF80, s22;
	v2 =	vld [tilespmem:s26+$0x0];
	s29 =	sor.u32 s28, s3;
	s31 =	sshll.u32 s15, $0x7  }
0x80: {  	s23 =	sor.u32 s30, s3;
	v3 =	vld [tilespmem:s29+$0x0];
	s24 =	sand.u32 $0x3FFFFF80, s31  }
0x81: {  	v4 =	vld [tilespmem:s23+$0x0];
	s25 =	sor.u32 s24, s3  }
0x82: {  	v5 =	vld [tilespmem:s25+$0x0];
	_ =	sdelay $0x1  }
0x83: {  	v6 =	vmul.f32 $5.000000000e+01, v2  }
0x84: {  	v7 =	vmul.f32 $5.000000000e+01, v3  }
0x85: {  	v8 =	vmul.f32 $5.000000000e+01, v4;
	v6 =	vadd.f32 $1.100000000e+02, v6  }
0x86: {  	v7 =	vadd.f32 $1.100000000e+02, v7;
	v9 =	vmul.f32 $5.000000000e+01, v5  }
0x87: {  	s19 =	smov.u32 @p0 s18;
	s18 =	sadd.s32 $0x61, s13;
	v8 =	vadd.f32 $1.100000000e+02, v8;
	v6 =	vadd.f32 $8.388608000e+06, v6  }
0x88: {  	s13 =	smov.u32 @p0 s18;
	vm15 =	vge.f32 v2, $2.349999920e-02;
	v2 =	vadd.f32 $8.388608000e+06, v7;
	v7 =	vadd.f32 $1.100000000e+02, v9  }
0x89: {  	s13 =	scvt.s32.f32 s13;
	vm1 =	vge.f32 v3, $2.349999920e-02;
	v3 =	vadd.f32 $8.388608000e+06, v8;
	v6 =	vadd.s32 v1, v6  }
0x8a: {  	s16 =	smov.u32 @p0 s17;
	s19 =	scvt.s32.f32 s19;
	vm2 =	vge.f32 v4, $2.349999920e-02;
	v4 =	vadd.f32 $8.388608000e+06, v7;
	v2 =	vadd.s32 v1, v2  }
0x8b: {  	s15 =	smov.u32 @p0 s14;
	s26 =	scvt.s32.f32 s16;
	s13 =	smul.f32 $1.666666750e-02, s13;
	vm3 =	vge.f32 v5, $2.349999920e-02;
	v3 =	vadd.s32 v1, v3  }
0x8c: {  	s14 =	scvt.s32.f32 s15;
	s28 =	smul.f32 $1.666666750e-02, s19;
	v4 =	vadd.s32 v1, v4  }
0x8d: {  	s15 =	smul.f32 $1.666666750e-02, s26;
	v5 =	vmov s13  }
0x8e: {  	s29 =	rddreg [dreg:$0x3];
	s14 =	smul.f32 $1.666666750e-02, s14;
	[tilespmem:v6+s10+$0x0] =	vst.idx.msk vm15, v5;
	v5 =	vmov s28  }
0x8f: {  	s30 =	rddreg [dreg:$0x4];
	[tilespmem:v2+s29+$0x0] =	vst.idx.msk vm1, v5;
	v2 =	vmov s15  }
0x90: {  	s31 =	rddreg [dreg:$0x5];
	[tilespmem:v3+s30+$0x0] =	vst.idx.msk vm2, v2;
	v2 =	vmov s14  }
0x91: {  	s13 =	simm.s32 $0x0;
	[tilespmem:v4+s31+$0x0] =	vst.idx.msk vm3, v2  }
0x92: {  	v13 =	vld [tilespmem:s13+$0x4800]  }
0x93: {  	v2 =	vld [tilespmem:s13+$0x5000]  }
0x94: {  	v4 =	vld [tilespmem:s13+$0x5800]  }
0x95: {  	v3 =	vld [tilespmem:s13+$0x4810]  }
0x96: {  	v5 =	vld [tilespmem:s13+$0x5010]  }
0x97: {  	v8 =	vld [tilespmem:s13+$0x5810]  }
0x98: {  	v6 =	vld [tilespmem:s13+$0x4820]  }
0x99: {  	v10 =	vld [tilespmem:s13+$0x5020]  }
0x9a: {  	v12 =	vld [tilespmem:s13+$0x5820]  }
0x9b: {  	v7 =	vld [tilespmem:s13+$0x4830]  }
0x9c: {  	v9 =	vld [tilespmem:s13+$0x5030]  }
0x9d: {  	v11 =	vld [tilespmem:s13+$0x5830]  }
0x9e: {  	v16 =	vld [tilespmem:s13+$0x4000]  }
0x9f: {  	v15 =	vld [tilespmem:s13+$0x4010]  }
0xa0: {  	s14 =	simm.s32 $0x200;
	v14 =	vld [tilespmem:s13+$0x4020]  }
.LBB2_6:
0xa1: {  	s15 =	sshra.s32 s14, $0x2;
	p1 =	sne.s32 s14, $0x1E00;
	v17 =	vld [tilespmem:s13+$0x4030]  }
0xa2: {  	v18 =	vld [tilespmem:s15+$0x4800]  }
0xa3: {  	v13 =	vmax.f32 v16, v13;
	v16 =	vmax.f32 v2, v4;
	v2 =	vld [tilespmem:s15+$0x5000]  }
0xa4: {  	v5 =	vmax.f32 v5, v8;
	v4 =	vld [tilespmem:s15+$0x5800];
	v13 =	vmax.f32 v13, v16;
	v15 =	vmax.f32 v15, v3  }
0xa5: {  	v10 =	vmax.f32 v10, v12;
	v3 =	vld [tilespmem:s15+$0x4810];
	[tilespmem:s13+$0x4000] =	vst v13;
	v8 =	vmax.f32 v15, v5;
	v6 =	vmax.f32 v14, v6  }
0xa6: {  	v9 =	vmax.f32 v9, v11;
	v5 =	vld [tilespmem:s15+$0x5010];
	[tilespmem:s13+$0x4010] =	vst v8;
	v6 =	vmax.f32 v6, v10;
	v7 =	vmax.f32 v17, v7  }
0xa7: {  	v8 =	vld [tilespmem:s15+$0x5810];
	[tilespmem:s13+$0x4020] =	vst v6;
	v7 =	vmax.f32 v7, v9;
	v13 =	vmov v18  }
0xa8: {  	v6 =	vld [tilespmem:s15+$0x4820];
	[tilespmem:s13+$0x4030] =	vst v7;
	s13 =	smov.u32 s15  }
0xa9: {  	v10 =	vld [tilespmem:s13+$0x5020]  }
0xaa: {  	v12 =	vld [tilespmem:s13+$0x5820]  }
0xab: {  	v7 =	vld [tilespmem:s13+$0x4830]  }
.Ltmp2:
0xac: {  	v9 =	vld [tilespmem:s13+$0x5030];
	(pc) =	sbr.rel @p1 .LBB2_6-.Ltmp2, $4  }
0xad: {  	v11 =	vld [tilespmem:s13+$0x5830]  }
0xae: {  	v16 =	vld [tilespmem:s13+$0x4000]  }
0xaf: {  	v15 =	vld [tilespmem:s13+$0x4010]  }
0xb0: {  	s14 =	sadd.s32 $0x200, s14;
	v14 =	vld [tilespmem:s13+$0x4020]  }
0xb1: {  	v17 =	vld [tilespmem:s13+$0x4030];
	_ =	sdelay $0x1  }
0xb2: {  	v2 =	vmax.f32 v2, v4;
	v13 =	vmax.f32 v16, v13  }
0xb3: {  	v61 =	vmax.f32 v5, v8;
	v2 =	vmax.f32 v13, v2;
	v3 =	vmax.f32 v15, v3  }
0xb4: {  	v62 =	vmax.f32 v10, v12;
	[tilespmem:s13+$0x4000] =	vst v2;
	v2 =	vmax.f32 v3, v61;
	v3 =	vmax.f32 v14, v6  }
0xb5: {  	s12 =	sadd.s32 $0x1, s12;
	v63 =	vmax.f32 v9, v11;
	[tilespmem:s13+$0x4010] =	vst v2;
	v2 =	vmax.f32 v3, v62;
	v3 =	vmax.f32 v17, v7  }
0xb6: {  	p1 =	sne.s32 s12, s5;
	[tilespmem:s13+$0x4020] =	vst v2;
	v2 =	vmax.f32 v3, v63  }
.Ltmp3:
0xb7: {  	[tilespmem:s13+$0x4030] =	vst v2;
	(pc) =	sbr.rel @p1 .LBB2_1-.Ltmp3, $4  }
0xb8: {  	[hbm4b:s6+s2] =	stream.linear.scatter [tilespmem:s10], [sflag:$0x2], $0x800, $0x38;
	[tilespmem:$0x6000] =	vst v63  }
0xb9: {  	_ =	swait.ge [sflag:s11], $0x800  }
0xba: {  	[sflag:s11] =	ssyncset.done $0x0  }
0xbb: {  	[sflag:s11] =	ssyncadd.s32 $0xFFFFF800  }
0xbc: {  	_ =	sfence.sel $0x180000  }
0xbd: {  	[bflag:$0x0] =	sbarrier.arrive $0xFFFF  }
0xbe: {  	p0 =	sne.s32 s1, $0x0;
	_ =	strace $0x90000047  }
0xbf: {  	s0 =	sadd.s32 @!p0 $0x100000, s0;
	[bflag:$0x2] =	sbarrier.arrive $0xFFFF  }
0xc0: {  	[sflag:s0] =	ssyncadd.tile.s32 @!p0 $0x1;
	_ =	shalt  }
.Lfunc_end2:
_tile_overlayer_lowered:
.L_overlay_start_2:
0xc1: {  	(tag) =	ssettag $0x2  }
0xc2: {  	s0 =	rddreg [dreg:$0x0];
	s2 =	stileid.u32  }
0xc3: {  	s1 =	rddreg [dreg:$0x1];
	p0 =	sne.s32 s2, $0x0  }
0xc4: {  	s3 =	rddreg [dreg:$0x2];
	[bflag:$0x3] =	sbarrier.arrive $0xFFFF;
	s2 =	simm.s32 @!p0 $0x1C02  }
0xc5: {  	[timem:s3], [sflag:s2] =	dma.local @!p0 [hbm:s0], s1  }
0xc6: {  	s0 =	simm.s32 @!p0 $0x2  }
0xc7: {  	_ =	swait.ge @!p0 [sflag:s0], s1  }
0xc8: {  	s1 =	ssub.s32 @!p0 $0x0, s1;
	[sflag:s0] =	ssyncset.done @!p0 $0x0  }
0xc9: {  	[sflag:s0] =	ssyncadd.s32 @!p0 s1  }
0xca: {  	[bflag:$0x3] =	sbarrier.arrive $0xFFFF  }
0xcb: {  	_ =	shalt  }

</sc_bundles>
